<compile_context>
chip_gen: v7x
topology: tpu7x:2x2x1
jax: 0.10.2.dev20260603
libtpu: 0.0.44.dev20260713+nightly
codegen_flags: <defaults>
</compile_context>

<pallas_src>
import functools

import jax
import jax.numpy as jnp
from jax import lax
from jax.experimental import pallas as pl
from jax.experimental.pallas import tpu as pltpu
from jax.experimental.pallas import tpu_sc as plsc

_SELU_SCALE = 1.0507009873554805
_SELU_ALPHA = 1.6732632423543772

_NC = 2
_NS = 16
_CH = 128
_D = 4
_CORE0_SHARE = 0.5


def _selu(x):
    return _SELU_SCALE * jnp.where(x > 0, x, _SELU_ALPHA * (jnp.exp(x) - 1.0))


def _matmul(x, w):
    n, d_in = x.shape
    d_out = w.shape[1]
    rb = 2000 if n % 2000 == 0 else 8
    grid = n // rb

    def body(x_ref, w_ref, o_ref):
        o_ref[:] = jnp.dot(x_ref[:], w_ref[:], preferred_element_type=jnp.float32)

    return pl.pallas_call(
        body,
        grid=(grid,),
        in_specs=[
            pl.BlockSpec((rb, d_in), lambda i: (i, 0)),
            pl.BlockSpec((d_in, d_out), lambda i: (0, 0)),
        ],
        out_specs=pl.BlockSpec((rb, d_out), lambda i: (i, 0)),
        out_shape=jax.ShapeDtypeStruct((n, d_out), jnp.float32),
    )(x, w)


def _spmm_sc(h, edges3, zeros_blk, acc_rows, n_chunks):
    n, d_h = h.shape
    zr = acc_rows // _NS

    n_groups = n_chunks // _D
    p0 = max(1, min(n_groups // _NS - 1, round(n_groups * _CORE0_SHARE / _NS)))
    rest = n_groups - p0 * _NS
    p1 = rest // _NS
    extra = rest - p1 * _NS
    nc0 = _D * p0
    nc1 = _D * p1
    nc_max = _D * max(p0, p1 + (1 if extra else 0))

    mesh = plsc.VectorSubcoreMesh(
        core_axis_name="c", subcore_axis_name="s",
        num_cores=_NC, num_subcores=_NS)

    @functools.partial(
        pl.kernel,
        out_type=jax.ShapeDtypeStruct((acc_rows, _NC * d_h), jnp.float32),
        mesh=mesh,
        scratch_types=[
            pltpu.VMEM((nc_max, _CH), jnp.int32),
            pltpu.VMEM((nc_max, _CH), jnp.int32),
        ] + [pltpu.VMEM((_CH, d_h), jnp.float32)] * _D + [
            pltpu.VMEM_SHARED((acc_rows, d_h), jnp.float32),
        ] + [pltpu.SemaphoreType.DMA] * _D,
        compiler_params=pltpu.CompilerParams(use_tc_tiling_on_sc=False),
    )
    def spmm(h_hbm, edges_hbm, zeros_hbm, out_hbm,
             src_v, dst_v, *rest_refs):
        bufs = rest_refs[:_D]
        acc_sh = rest_refs[_D]
        sems = rest_refs[_D + 1:]
        c = lax.axis_index("c")
        s = lax.axis_index("s")
        start = jnp.where(
            c == 0,
            s * nc0,
            nc0 * _NS + _D * (s * p1 + jnp.minimum(s, extra)))
        my_nc = jnp.where(c == 0, nc0,
                          jnp.where(s < extra, nc1 + _D, nc1))

        @pl.when(c == 0)
        def _():
            pltpu.sync_copy(edges_hbm.at[0, pl.ds(start, nc0)],
                            src_v.at[pl.ds(0, nc0)])
            pltpu.sync_copy(edges_hbm.at[1, pl.ds(start, nc0)],
                            dst_v.at[pl.ds(0, nc0)])

        @pl.when((c == 1) & (s < extra))
        def _():
            pltpu.sync_copy(edges_hbm.at[0, pl.ds(start, nc1 + _D)],
                            src_v.at[pl.ds(0, nc1 + _D)])
            pltpu.sync_copy(edges_hbm.at[1, pl.ds(start, nc1 + _D)],
                            dst_v.at[pl.ds(0, nc1 + _D)])

        @pl.when((c == 1) & (s >= extra))
        def _():
            pltpu.sync_copy(edges_hbm.at[0, pl.ds(start, nc1)],
                            src_v.at[pl.ds(0, nc1)])
            pltpu.sync_copy(edges_hbm.at[1, pl.ds(start, nc1)],
                            dst_v.at[pl.ds(0, nc1)])

        pltpu.sync_copy(zeros_hbm, acc_sh.at[pl.ds(s * zr, zr)])
        plsc.subcore_barrier()

        def body(q, carry):
            j = _D * q
            for k in range(_D):
                jn = lax.rem(j + _D - 1 + k, my_nc)
                pltpu.async_copy(h_hbm.at[src_v.at[jn]],
                                 bufs[(k + _D - 1) % _D],
                                 sems[(k + _D - 1) % _D])
                pltpu.make_async_copy(h_hbm.at[src_v.at[j + k]],
                                      bufs[k], sems[k]).wait()
                pltpu.sync_copy(bufs[k], acc_sh.at[dst_v.at[j + k]], add=True)
            return carry

        for k in range(_D - 1):
            pltpu.async_copy(h_hbm.at[src_v.at[k]], bufs[k], sems[k])
        lax.fori_loop(0, my_nc // _D, body, 0)
        for k in range(_D - 1):
            pltpu.make_async_copy(h_hbm.at[src_v.at[k]], bufs[k], sems[k]).wait()
        plsc.subcore_barrier()
        pltpu.sync_copy(acc_sh.at[pl.ds(s * zr, zr)],
                        out_hbm.at[pl.ds(s * zr, zr), pl.ds(c * d_h, d_h)])

    return spmm(h, edges3, zeros_blk)


def _epilogue(h, parts, skip, bg, wp, bp):
    n, d_h = h.shape
    k = wp.shape[1]
    rb = 2000 if n % 2000 == 0 else 8
    grid = n // rb

    def body(h_ref, p_ref, skip_ref, bg_ref, wp_ref, bp_ref,
             asg_ref, pool_ref, acc_ref):
        i = pl.program_id(0)
        agg = p_ref[:, :d_h] + p_ref[:, d_h:]
        h2 = _selu(skip_ref[:] * h_ref[:] + agg + bg_ref[:])
        logits = jnp.dot(h2, wp_ref[:], preferred_element_type=jnp.float32)
        logits = logits + bp_ref[:]
        m = jnp.max(logits, axis=-1, keepdims=True)
        e = jnp.exp(logits - m)
        a = e / jnp.sum(e, axis=-1, keepdims=True)
        asg_ref[:] = a
        @pl.when(i == 0)
        def _():
            acc_ref[:] = jnp.zeros_like(acc_ref)
        acc_ref[:] += lax.dot_general(
            a, h2, (((0,), (0,)), ((), ())), preferred_element_type=jnp.float32)
        @pl.when(i == pl.num_programs(0) - 1)
        def _():
            pool_ref[:] = _selu(acc_ref[:])

    asg, pool = pl.pallas_call(
        body,
        grid=(grid,),
        in_specs=[
            pl.BlockSpec((rb, d_h), lambda i: (i, 0)),
            pl.BlockSpec((rb, _NC * d_h), lambda i: (i, 0)),
            pl.BlockSpec((1, d_h), lambda i: (0, 0)),
            pl.BlockSpec((1, d_h), lambda i: (0, 0)),
            pl.BlockSpec((d_h, k), lambda i: (0, 0)),
            pl.BlockSpec((1, k), lambda i: (0, 0)),
        ],
        out_specs=[
            pl.BlockSpec((rb, k), lambda i: (i, 0)),
            pl.BlockSpec((k, d_h), lambda i: (0, 0)),
        ],
        out_shape=[
            jax.ShapeDtypeStruct((n, k), jnp.float32),
            jax.ShapeDtypeStruct((k, d_h), jnp.float32),
        ],
        scratch_shapes=[pltpu.VMEM((k, d_h), jnp.float32)],
    )(h, parts, skip, bg, wp, bp)
    return pool, asg


def kernel(features, edge_index, W_gcn, b_gcn, skip_gcn, W_pool, b_pool):
    n, _ = features.shape
    d_h = W_gcn.shape[1]
    e = edge_index.shape[1]

    h = _matmul(features, W_gcn)

    acc_rows = -(-(n + 1) // (_NS * 8)) * (_NS * 8)
    n_chunks = _D * (-(-e // (_CH * _D)))
    if e == n_chunks * _CH:
        edges3 = edge_index.reshape(2, n_chunks, _CH)
    else:
        pad = n_chunks * _CH - e
        edges3 = jnp.concatenate(
            [edge_index,
             jnp.stack([jnp.zeros((pad,), jnp.int32),
                        jnp.full((pad,), n, jnp.int32)])], axis=1,
        ).reshape(2, n_chunks, _CH)
    zeros_blk = jnp.zeros((acc_rows // _NS, d_h), jnp.float32)

    parts = _spmm_sc(h, edges3, zeros_blk, acc_rows, n_chunks)

    pool, asg = _epilogue(
        h, parts,
        skip_gcn.reshape(1, d_h), b_gcn.reshape(1, d_h),
        W_pool, b_pool.reshape(1, -1))
    return (pool, asg)

# --- scband reference (transcript-rebuilt; emitter-appended) ---
"""Pipeline reference for scband-gcnmincut-11562051960851 (READ-ONLY COPY).

The authoritative reference and input builder live on the scoring server;
editing this copy changes nothing except your own understanding.
"""

import jax, jax.numpy as jnp
import numpy as np

N = 10000
E = 320000
D_IN = 128
D_H = 64
K = 16


def setup_inputs(seed: int = 0) -> dict:
    key = jax.random.key(seed)
    k1, k2, k3, k4 = jax.random.split(key, 4)
    features = jax.random.normal(k1, (N, D_IN), dtype=jnp.float32)
    edge_index = jax.random.randint(k2, (2, E), 0, N, dtype=jnp.int32)
    # GCN layer params (input_dim=128 -> 64), glorot-ish init
    W_gcn = jax.random.normal(k3, (D_IN, D_H), dtype=jnp.float32) * 0.05
    b_gcn = jnp.zeros((D_H,), dtype=jnp.float32)
    skip_gcn = jnp.ones((D_H,), dtype=jnp.float32)
    # MincutPooling assignment transform (64 -> k=16), pooling_mlp_sizes=[] -> single linear
    W_pool = jax.random.normal(k4, (D_H, K), dtype=jnp.float32) * 0.05
    b_pool = jnp.zeros((K,), dtype=jnp.float32)
    return {
        'features': features,
        'edge_index': edge_index,
        'W_gcn': W_gcn,
        'b_gcn': b_gcn,
        'skip_gcn': skip_gcn,
        'W_pool': W_pool,
        'b_pool': b_pool,
    }


def _spmm(edge_index, x, n):
    # sparse adjacency (binary, edge weights = 1) times dense matrix:
    # gather rows from src nodes, scatter-add into dst nodes
    src = edge_index[0]
    dst = edge_index[1]
    return jax.ops.segment_sum(x[src], dst, num_segments=n)


def reference(features, edge_index, W_gcn, b_gcn, skip_gcn, W_pool, b_pool):
    n = features.shape[0]
    # --- GCN layer (dmon-style: transform, skip-weighted + propagated, bias, selu) ---
    h = features @ W_gcn
    h = skip_gcn * h + _spmm(edge_index, h, n)
    h = jax.nn.selu(h + b_gcn)
    # --- MincutPooling: assignment MLP (empty hidden sizes -> single linear) + softmax ---
    logits = h @ W_pool + b_pool
    assignments = jax.nn.softmax(logits, axis=-1)  # [N, K]
    # pooled features: S^T X, selu activation
    pool = jax.nn.selu(assignments.T @ h)  # [K, D_H]
    return (pool, assignments)

if __name__ == "__main__":
    import jax
    _d = setup_inputs()
    print(jax.jit(kernel)(*tuple(_d.values())))

</pallas_src>

<mosaic_0001>
#map = affine_map<(d0, d1) -> (0, 0)>
#map1 = affine_map<(d0, d1) -> (0, 0, 0)>
module attributes {stable_mosaic.version = 14 : i64} {
  func.func @spmm(%arg0: i32, %arg1: i32, %arg2: memref<10000x64xf32, #tpu.memory_space<hbm>>, %arg3: memref<2x2500x128xi32, #tpu.memory_space<hbm>>, %arg4: memref<632x64xf32, #tpu.memory_space<hbm>>, %arg5: memref<10112x128xf32, #tpu.memory_space<hbm>>, %arg6: memref<80x128xi32, #tpu.memory_space<vmem>>, %arg7: memref<80x128xi32, #tpu.memory_space<vmem>>, %arg8: memref<128x64xf32, #tpu.memory_space<vmem>>, %arg9: memref<128x64xf32, #tpu.memory_space<vmem>>, %arg10: memref<128x64xf32, #tpu.memory_space<vmem>>, %arg11: memref<128x64xf32, #tpu.memory_space<vmem>>, %arg12: memref<10112x64xf32, #tpu.memory_space<vmem_shared>>, %arg13: memref<!tpu.dma_semaphore, #tpu.memory_space<semaphore_mem>>, %arg14: memref<!tpu.dma_semaphore, #tpu.memory_space<semaphore_mem>>, %arg15: memref<!tpu.dma_semaphore, #tpu.memory_space<semaphore_mem>>, %arg16: memref<!tpu.dma_semaphore, #tpu.memory_space<semaphore_mem>>) attributes {dimension_semantics = [#tpu.dimension_semantics<core_parallel>, #tpu.dimension_semantics<subcore_parallel>], iteration_bounds = array<i64: 2, 16>, scalar_prefetch = 0 : i64, scratch_operands = 11 : i64, tpu.core_type = #tpu.core_type<sc_vector_subcore>, window_params = [{transform_indices = #map}, {transform_indices = #map1}, {transform_indices = #map}, {transform_indices = #map}]} {
    %eq3A = arith.constant 0 : i32
    %eq3A_0 = arith.cmpi eq, %arg0, %eq3A : i32
    %mul3A = arith.constant 80 : i32
    %mul3A_1 = arith.muli %arg1, %mul3A : i32
    %mul3A_2 = arith.constant 19 : i32
    %mul3A_3 = arith.muli %arg1, %mul3A_2 : i32
    %min3A = arith.constant 1 : i32
    %min3A_4 = arith.minsi %arg1, %min3A : i32
    %add3A = arith.addi %mul3A_3, %min3A_4 : i32
    %mul3A_5 = arith.constant 4 : i32
    %mul3A_6 = arith.muli %mul3A_5, %add3A : i32
    %add3A_7 = arith.constant 1280 : i32
    %add3A_8 = arith.addi %add3A_7, %mul3A_6 : i32
    %select_n3A = arith.select %eq3A_0, %mul3A_1, %add3A_8 : i32
    %eq3A_9 = arith.constant 0 : i32
    %eq3A_10 = arith.cmpi eq, %arg0, %eq3A_9 : i32
    %lt3A = arith.constant 1 : i32
    %lt3A_11 = arith.cmpi slt, %arg1, %lt3A : i32
    %jit3A = arith.constant 80 : i32
    %jit3A_12 = arith.constant 76 : i32
    %select_n3A_13 = arith.select %lt3A_11, %jit3A, %jit3A_12 : i32
    %jit3A_14 = arith.constant 80 : i32
    %select_n3A_15 = arith.select %eq3A_10, %jit3A_14, %select_n3A_13 : i32
    %eq3A_16 = arith.constant 0 : i32
    %eq3A_17 = arith.cmpi eq, %arg0, %eq3A_16 : i32
    %convert_element_type3A = arith.extui %eq3A_17 : i1 to i32
    %cond3A = arith.constant 0 : i32
    %cond3A_18 = arith.cmpi ne, %convert_element_type3A, %cond3A : i32
    scf.if %cond3A_18 {
      %run_scoped3A = arith.constant 0 : i32
      "tpu.region"() ({
        %run_scoped3A_111 = tpu.sem_alloc : memref<!tpu.dma_semaphore, #tpu.memory_space<semaphore_mem>>
        %dma_start3A_112 = arith.constant 0 : i32
        %dma_start3A_113 = arith.constant 0 : i32
        %dma_start3A_114 = tpu.memref_slice %arg6[%dma_start3A_112, %dma_start3A_113] : memref<80x128xi32, #tpu.memory_space<vmem>> -> memref<80x128xi32, #tpu.memory_space<vmem>>
        %dma_start3A_115 = arith.constant 0 : i32
        %dma_start3A_116 = tpu.memref_slice %arg3[%run_scoped3A, %select_n3A, %dma_start3A_115] : memref<2x2500x128xi32, #tpu.memory_space<hbm>> -> memref<1x80x128xi32, #tpu.memory_space<hbm>>
        %dma_start3A_117 = tpu.memref_squeeze %dma_start3A_116 : memref<1x80x128xi32, #tpu.memory_space<hbm>> -> memref<80x128xi32, #tpu.memory_space<hbm>>
        %dma_start3A_118 = arith.constant 0 : i32
        %dma_start3A_119 = arith.constant 0 : i32
        %dma_start3A_120 = tpu.memref_slice %arg6[%dma_start3A_118, %dma_start3A_119] : memref<80x128xi32, #tpu.memory_space<vmem>> -> memref<80x128xi32, #tpu.memory_space<vmem>>
        %dma_start3A_121 = arith.constant 0 : i32
        %dma_start3A_122 = tpu.memref_slice %arg3[%run_scoped3A, %select_n3A, %dma_start3A_121] : memref<2x2500x128xi32, #tpu.memory_space<hbm>> -> memref<1x80x128xi32, #tpu.memory_space<hbm>>
        %dma_start3A_123 = tpu.memref_squeeze %dma_start3A_122 : memref<1x80x128xi32, #tpu.memory_space<hbm>> -> memref<80x128xi32, #tpu.memory_space<hbm>>
        tpu.enqueue_dma source(%dma_start3A_123 : memref<80x128xi32, #tpu.memory_space<hbm>>) target(%dma_start3A_120 : memref<80x128xi32, #tpu.memory_space<vmem>>) target_semaphore(%run_scoped3A_111 : memref<!tpu.dma_semaphore, #tpu.memory_space<semaphore_mem>>)
        %dma_wait3A_124 = arith.constant 0 : i32
        %dma_wait3A_125 = arith.constant 0 : i32
        %dma_wait3A_126 = tpu.memref_slice %arg6[%dma_wait3A_124, %dma_wait3A_125] : memref<80x128xi32, #tpu.memory_space<vmem>> -> memref<80x128xi32, #tpu.memory_space<vmem>>
        %dma_wait3A_127 = arith.constant 0 : i32
        %dma_wait3A_128 = tpu.memref_slice %arg3[%run_scoped3A, %select_n3A, %dma_wait3A_127] : memref<2x2500x128xi32, #tpu.memory_space<hbm>> -> memref<1x80x128xi32, #tpu.memory_space<hbm>>
        %dma_wait3A_129 = tpu.memref_squeeze %dma_wait3A_128 : memref<1x80x128xi32, #tpu.memory_space<hbm>> -> memref<80x128xi32, #tpu.memory_space<hbm>>
        %dma_wait3A_130 = arith.constant 0 : i32
        %dma_wait3A_131 = arith.constant 0 : i32
        %dma_wait3A_132 = tpu.memref_slice %arg6[%dma_wait3A_130, %dma_wait3A_131] : memref<80x128xi32, #tpu.memory_space<vmem>> -> memref<80x128xi32, #tpu.memory_space<vmem>>
        %dma_wait3A_133 = arith.constant 0 : i32
        %dma_wait3A_134 = tpu.memref_slice %arg3[%run_scoped3A, %select_n3A, %dma_wait3A_133] : memref<2x2500x128xi32, #tpu.memory_space<hbm>> -> memref<1x80x128xi32, #tpu.memory_space<hbm>>
        %dma_wait3A_135 = tpu.memref_squeeze %dma_wait3A_134 : memref<1x80x128xi32, #tpu.memory_space<hbm>> -> memref<80x128xi32, #tpu.memory_space<hbm>>
        tpu.wait_dma2 semaphore(%run_scoped3A_111 : memref<!tpu.dma_semaphore, #tpu.memory_space<semaphore_mem>>) src(%dma_wait3A_135 : memref<80x128xi32, #tpu.memory_space<hbm>>) dst(%dma_wait3A_132 : memref<80x128xi32, #tpu.memory_space<vmem>>)
        tpu.yield
      }) : () -> ()
      %run_scoped3A_110 = arith.constant 1 : i32
      "tpu.region"() ({
        %run_scoped3A_111 = tpu.sem_alloc : memref<!tpu.dma_semaphore, #tpu.memory_space<semaphore_mem>>
        %dma_start3A_112 = arith.constant 0 : i32
        %dma_start3A_113 = arith.constant 0 : i32
        %dma_start3A_114 = tpu.memref_slice %arg7[%dma_start3A_112, %dma_start3A_113] : memref<80x128xi32, #tpu.memory_space<vmem>> -> memref<80x128xi32, #tpu.memory_space<vmem>>
        %dma_start3A_115 = arith.constant 0 : i32
        %dma_start3A_116 = tpu.memref_slice %arg3[%run_scoped3A_110, %select_n3A, %dma_start3A_115] : memref<2x2500x128xi32, #tpu.memory_space<hbm>> -> memref<1x80x128xi32, #tpu.memory_space<hbm>>
        %dma_start3A_117 = tpu.memref_squeeze %dma_start3A_116 : memref<1x80x128xi32, #tpu.memory_space<hbm>> -> memref<80x128xi32, #tpu.memory_space<hbm>>
        %dma_start3A_118 = arith.constant 0 : i32
        %dma_start3A_119 = arith.constant 0 : i32
        %dma_start3A_120 = tpu.memref_slice %arg7[%dma_start3A_118, %dma_start3A_119] : memref<80x128xi32, #tpu.memory_space<vmem>> -> memref<80x128xi32, #tpu.memory_space<vmem>>
        %dma_start3A_121 = arith.constant 0 : i32
        %dma_start3A_122 = tpu.memref_slice %arg3[%run_scoped3A_110, %select_n3A, %dma_start3A_121] : memref<2x2500x128xi32, #tpu.memory_space<hbm>> -> memref<1x80x128xi32, #tpu.memory_space<hbm>>
        %dma_start3A_123 = tpu.memref_squeeze %dma_start3A_122 : memref<1x80x128xi32, #tpu.memory_space<hbm>> -> memref<80x128xi32, #tpu.memory_space<hbm>>
        tpu.enqueue_dma source(%dma_start3A_123 : memref<80x128xi32, #tpu.memory_space<hbm>>) target(%dma_start3A_120 : memref<80x128xi32, #tpu.memory_space<vmem>>) target_semaphore(%run_scoped3A_111 : memref<!tpu.dma_semaphore, #tpu.memory_space<semaphore_mem>>)
        %dma_wait3A_124 = arith.constant 0 : i32
        %dma_wait3A_125 = arith.constant 0 : i32
        %dma_wait3A_126 = tpu.memref_slice %arg7[%dma_wait3A_124, %dma_wait3A_125] : memref<80x128xi32, #tpu.memory_space<vmem>> -> memref<80x128xi32, #tpu.memory_space<vmem>>
        %dma_wait3A_127 = arith.constant 0 : i32
        %dma_wait3A_128 = tpu.memref_slice %arg3[%run_scoped3A_110, %select_n3A, %dma_wait3A_127] : memref<2x2500x128xi32, #tpu.memory_space<hbm>> -> memref<1x80x128xi32, #tpu.memory_space<hbm>>
        %dma_wait3A_129 = tpu.memref_squeeze %dma_wait3A_128 : memref<1x80x128xi32, #tpu.memory_space<hbm>> -> memref<80x128xi32, #tpu.memory_space<hbm>>
        %dma_wait3A_130 = arith.constant 0 : i32
        %dma_wait3A_131 = arith.constant 0 : i32
        %dma_wait3A_132 = tpu.memref_slice %arg7[%dma_wait3A_130, %dma_wait3A_131] : memref<80x128xi32, #tpu.memory_space<vmem>> -> memref<80x128xi32, #tpu.memory_space<vmem>>
        %dma_wait3A_133 = arith.constant 0 : i32
        %dma_wait3A_134 = tpu.memref_slice %arg3[%run_scoped3A_110, %select_n3A, %dma_wait3A_133] : memref<2x2500x128xi32, #tpu.memory_space<hbm>> -> memref<1x80x128xi32, #tpu.memory_space<hbm>>
        %dma_wait3A_135 = tpu.memref_squeeze %dma_wait3A_134 : memref<1x80x128xi32, #tpu.memory_space<hbm>> -> memref<80x128xi32, #tpu.memory_space<hbm>>
        tpu.wait_dma2 semaphore(%run_scoped3A_111 : memref<!tpu.dma_semaphore, #tpu.memory_space<semaphore_mem>>) src(%dma_wait3A_135 : memref<80x128xi32, #tpu.memory_space<hbm>>) dst(%dma_wait3A_132 : memref<80x128xi32, #tpu.memory_space<vmem>>)
        tpu.yield
      }) : () -> ()
    } else {
    }
    %eq3A_19 = arith.constant 1 : i32
    %eq3A_20 = arith.cmpi eq, %arg0, %eq3A_19 : i32
    %lt3A_21 = arith.constant 1 : i32
    %lt3A_22 = arith.cmpi slt, %arg1, %lt3A_21 : i32
    %and3A = arith.andi %eq3A_20, %lt3A_22 : i1
    %convert_element_type3A_23 = arith.extui %and3A : i1 to i32
    %cond3A_24 = arith.constant 0 : i32
    %cond3A_25 = arith.cmpi ne, %convert_element_type3A_23, %cond3A_24 : i32
    scf.if %cond3A_25 {
      %run_scoped3A = arith.constant 0 : i32
      "tpu.region"() ({
        %run_scoped3A_111 = tpu.sem_alloc : memref<!tpu.dma_semaphore, #tpu.memory_space<semaphore_mem>>
        %dma_start3A_112 = arith.constant 0 : i32
        %dma_start3A_113 = arith.constant 0 : i32
        %dma_start3A_114 = tpu.memref_slice %arg6[%dma_start3A_112, %dma_start3A_113] : memref<80x128xi32, #tpu.memory_space<vmem>> -> memref<80x128xi32, #tpu.memory_space<vmem>>
        %dma_start3A_115 = arith.constant 0 : i32
        %dma_start3A_116 = tpu.memref_slice %arg3[%run_scoped3A, %select_n3A, %dma_start3A_115] : memref<2x2500x128xi32, #tpu.memory_space<hbm>> -> memref<1x80x128xi32, #tpu.memory_space<hbm>>
        %dma_start3A_117 = tpu.memref_squeeze %dma_start3A_116 : memref<1x80x128xi32, #tpu.memory_space<hbm>> -> memref<80x128xi32, #tpu.memory_space<hbm>>
        %dma_start3A_118 = arith.constant 0 : i32
        %dma_start3A_119 = arith.constant 0 : i32
        %dma_start3A_120 = tpu.memref_slice %arg6[%dma_start3A_118, %dma_start3A_119] : memref<80x128xi32, #tpu.memory_space<vmem>> -> memref<80x128xi32, #tpu.memory_space<vmem>>
        %dma_start3A_121 = arith.constant 0 : i32
        %dma_start3A_122 = tpu.memref_slice %arg3[%run_scoped3A, %select_n3A, %dma_start3A_121] : memref<2x2500x128xi32, #tpu.memory_space<hbm>> -> memref<1x80x128xi32, #tpu.memory_space<hbm>>
        %dma_start3A_123 = tpu.memref_squeeze %dma_start3A_122 : memref<1x80x128xi32, #tpu.memory_space<hbm>> -> memref<80x128xi32, #tpu.memory_space<hbm>>
        tpu.enqueue_dma source(%dma_start3A_123 : memref<80x128xi32, #tpu.memory_space<hbm>>) target(%dma_start3A_120 : memref<80x128xi32, #tpu.memory_space<vmem>>) target_semaphore(%run_scoped3A_111 : memref<!tpu.dma_semaphore, #tpu.memory_space<semaphore_mem>>)
        %dma_wait3A_124 = arith.constant 0 : i32
        %dma_wait3A_125 = arith.constant 0 : i32
        %dma_wait3A_126 = tpu.memref_slice %arg6[%dma_wait3A_124, %dma_wait3A_125] : memref<80x128xi32, #tpu.memory_space<vmem>> -> memref<80x128xi32, #tpu.memory_space<vmem>>
        %dma_wait3A_127 = arith.constant 0 : i32
        %dma_wait3A_128 = tpu.memref_slice %arg3[%run_scoped3A, %select_n3A, %dma_wait3A_127] : memref<2x2500x128xi32, #tpu.memory_space<hbm>> -> memref<1x80x128xi32, #tpu.memory_space<hbm>>
        %dma_wait3A_129 = tpu.memref_squeeze %dma_wait3A_128 : memref<1x80x128xi32, #tpu.memory_space<hbm>> -> memref<80x128xi32, #tpu.memory_space<hbm>>
        %dma_wait3A_130 = arith.constant 0 : i32
        %dma_wait3A_131 = arith.constant 0 : i32
        %dma_wait3A_132 = tpu.memref_slice %arg6[%dma_wait3A_130, %dma_wait3A_131] : memref<80x128xi32, #tpu.memory_space<vmem>> -> memref<80x128xi32, #tpu.memory_space<vmem>>
        %dma_wait3A_133 = arith.constant 0 : i32
        %dma_wait3A_134 = tpu.memref_slice %arg3[%run_scoped3A, %select_n3A, %dma_wait3A_133] : memref<2x2500x128xi32, #tpu.memory_space<hbm>> -> memref<1x80x128xi32, #tpu.memory_space<hbm>>
        %dma_wait3A_135 = tpu.memref_squeeze %dma_wait3A_134 : memref<1x80x128xi32, #tpu.memory_space<hbm>> -> memref<80x128xi32, #tpu.memory_space<hbm>>
        tpu.wait_dma2 semaphore(%run_scoped3A_111 : memref<!tpu.dma_semaphore, #tpu.memory_space<semaphore_mem>>) src(%dma_wait3A_135 : memref<80x128xi32, #tpu.memory_space<hbm>>) dst(%dma_wait3A_132 : memref<80x128xi32, #tpu.memory_space<vmem>>)
        tpu.yield
      }) : () -> ()
      %run_scoped3A_110 = arith.constant 1 : i32
      "tpu.region"() ({
        %run_scoped3A_111 = tpu.sem_alloc : memref<!tpu.dma_semaphore, #tpu.memory_space<semaphore_mem>>
        %dma_start3A_112 = arith.constant 0 : i32
        %dma_start3A_113 = arith.constant 0 : i32
        %dma_start3A_114 = tpu.memref_slice %arg7[%dma_start3A_112, %dma_start3A_113] : memref<80x128xi32, #tpu.memory_space<vmem>> -> memref<80x128xi32, #tpu.memory_space<vmem>>
        %dma_start3A_115 = arith.constant 0 : i32
        %dma_start3A_116 = tpu.memref_slice %arg3[%run_scoped3A_110, %select_n3A, %dma_start3A_115] : memref<2x2500x128xi32, #tpu.memory_space<hbm>> -> memref<1x80x128xi32, #tpu.memory_space<hbm>>
        %dma_start3A_117 = tpu.memref_squeeze %dma_start3A_116 : memref<1x80x128xi32, #tpu.memory_space<hbm>> -> memref<80x128xi32, #tpu.memory_space<hbm>>
        %dma_start3A_118 = arith.constant 0 : i32
        %dma_start3A_119 = arith.constant 0 : i32
        %dma_start3A_120 = tpu.memref_slice %arg7[%dma_start3A_118, %dma_start3A_119] : memref<80x128xi32, #tpu.memory_space<vmem>> -> memref<80x128xi32, #tpu.memory_space<vmem>>
        %dma_start3A_121 = arith.constant 0 : i32
        %dma_start3A_122 = tpu.memref_slice %arg3[%run_scoped3A_110, %select_n3A, %dma_start3A_121] : memref<2x2500x128xi32, #tpu.memory_space<hbm>> -> memref<1x80x128xi32, #tpu.memory_space<hbm>>
        %dma_start3A_123 = tpu.memref_squeeze %dma_start3A_122 : memref<1x80x128xi32, #tpu.memory_space<hbm>> -> memref<80x128xi32, #tpu.memory_space<hbm>>
        tpu.enqueue_dma source(%dma_start3A_123 : memref<80x128xi32, #tpu.memory_space<hbm>>) target(%dma_start3A_120 : memref<80x128xi32, #tpu.memory_space<vmem>>) target_semaphore(%run_scoped3A_111 : memref<!tpu.dma_semaphore, #tpu.memory_space<semaphore_mem>>)
        %dma_wait3A_124 = arith.constant 0 : i32
        %dma_wait3A_125 = arith.constant 0 : i32
        %dma_wait3A_126 = tpu.memref_slice %arg7[%dma_wait3A_124, %dma_wait3A_125] : memref<80x128xi32, #tpu.memory_space<vmem>> -> memref<80x128xi32, #tpu.memory_space<vmem>>
        %dma_wait3A_127 = arith.constant 0 : i32
        %dma_wait3A_128 = tpu.memref_slice %arg3[%run_scoped3A_110, %select_n3A, %dma_wait3A_127] : memref<2x2500x128xi32, #tpu.memory_space<hbm>> -> memref<1x80x128xi32, #tpu.memory_space<hbm>>
        %dma_wait3A_129 = tpu.memref_squeeze %dma_wait3A_128 : memref<1x80x128xi32, #tpu.memory_space<hbm>> -> memref<80x128xi32, #tpu.memory_space<hbm>>
        %dma_wait3A_130 = arith.constant 0 : i32
        %dma_wait3A_131 = arith.constant 0 : i32
        %dma_wait3A_132 = tpu.memref_slice %arg7[%dma_wait3A_130, %dma_wait3A_131] : memref<80x128xi32, #tpu.memory_space<vmem>> -> memref<80x128xi32, #tpu.memory_space<vmem>>
        %dma_wait3A_133 = arith.constant 0 : i32
        %dma_wait3A_134 = tpu.memref_slice %arg3[%run_scoped3A_110, %select_n3A, %dma_wait3A_133] : memref<2x2500x128xi32, #tpu.memory_space<hbm>> -> memref<1x80x128xi32, #tpu.memory_space<hbm>>
        %dma_wait3A_135 = tpu.memref_squeeze %dma_wait3A_134 : memref<1x80x128xi32, #tpu.memory_space<hbm>> -> memref<80x128xi32, #tpu.memory_space<hbm>>
        tpu.wait_dma2 semaphore(%run_scoped3A_111 : memref<!tpu.dma_semaphore, #tpu.memory_space<semaphore_mem>>) src(%dma_wait3A_135 : memref<80x128xi32, #tpu.memory_space<hbm>>) dst(%dma_wait3A_132 : memref<80x128xi32, #tpu.memory_space<vmem>>)
        tpu.yield
      }) : () -> ()
    } else {
    }
    %eq3A_26 = arith.constant 1 : i32
    %eq3A_27 = arith.cmpi eq, %arg0, %eq3A_26 : i32
    %ge3A = arith.constant 1 : i32
    %ge3A_28 = arith.cmpi sge, %arg1, %ge3A : i32
    %and3A_29 = arith.andi %eq3A_27, %ge3A_28 : i1
    %convert_element_type3A_30 = arith.extui %and3A_29 : i1 to i32
    %cond3A_31 = arith.constant 0 : i32
    %cond3A_32 = arith.cmpi ne, %convert_element_type3A_30, %cond3A_31 : i32
    scf.if %cond3A_32 {
      %run_scoped3A = arith.constant 0 : i32
      "tpu.region"() ({
        %run_scoped3A_111 = tpu.sem_alloc : memref<!tpu.dma_semaphore, #tpu.memory_space<semaphore_mem>>
        %dma_start3A_112 = arith.constant 0 : i32
        %dma_start3A_113 = arith.constant 0 : i32
        %dma_start3A_114 = tpu.memref_slice %arg6[%dma_start3A_112, %dma_start3A_113] : memref<80x128xi32, #tpu.memory_space<vmem>> -> memref<76x128xi32, #tpu.memory_space<vmem>>
        %dma_start3A_115 = arith.constant 0 : i32
        %dma_start3A_116 = tpu.memref_slice %arg3[%run_scoped3A, %select_n3A, %dma_start3A_115] : memref<2x2500x128xi32, #tpu.memory_space<hbm>> -> memref<1x76x128xi32, #tpu.memory_space<hbm>>
        %dma_start3A_117 = tpu.memref_squeeze %dma_start3A_116 : memref<1x76x128xi32, #tpu.memory_space<hbm>> -> memref<76x128xi32, #tpu.memory_space<hbm>>
        %dma_start3A_118 = arith.constant 0 : i32
        %dma_start3A_119 = arith.constant 0 : i32
        %dma_start3A_120 = tpu.memref_slice %arg6[%dma_start3A_118, %dma_start3A_119] : memref<80x128xi32, #tpu.memory_space<vmem>> -> memref<76x128xi32, #tpu.memory_space<vmem>>
        %dma_start3A_121 = arith.constant 0 : i32
        %dma_start3A_122 = tpu.memref_slice %arg3[%run_scoped3A, %select_n3A, %dma_start3A_121] : memref<2x2500x128xi32, #tpu.memory_space<hbm>> -> memref<1x76x128xi32, #tpu.memory_space<hbm>>
        %dma_start3A_123 = tpu.memref_squeeze %dma_start3A_122 : memref<1x76x128xi32, #tpu.memory_space<hbm>> -> memref<76x128xi32, #tpu.memory_space<hbm>>
        tpu.enqueue_dma source(%dma_start3A_123 : memref<76x128xi32, #tpu.memory_space<hbm>>) target(%dma_start3A_120 : memref<76x128xi32, #tpu.memory_space<vmem>>) target_semaphore(%run_scoped3A_111 : memref<!tpu.dma_semaphore, #tpu.memory_space<semaphore_mem>>)
        %dma_wait3A_124 = arith.constant 0 : i32
        %dma_wait3A_125 = arith.constant 0 : i32
        %dma_wait3A_126 = tpu.memref_slice %arg6[%dma_wait3A_124, %dma_wait3A_125] : memref<80x128xi32, #tpu.memory_space<vmem>> -> memref<76x128xi32, #tpu.memory_space<vmem>>
        %dma_wait3A_127 = arith.constant 0 : i32
        %dma_wait3A_128 = tpu.memref_slice %arg3[%run_scoped3A, %select_n3A, %dma_wait3A_127] : memref<2x2500x128xi32, #tpu.memory_space<hbm>> -> memref<1x76x128xi32, #tpu.memory_space<hbm>>
        %dma_wait3A_129 = tpu.memref_squeeze %dma_wait3A_128 : memref<1x76x128xi32, #tpu.memory_space<hbm>> -> memref<76x128xi32, #tpu.memory_space<hbm>>
        %dma_wait3A_130 = arith.constant 0 : i32
        %dma_wait3A_131 = arith.constant 0 : i32
        %dma_wait3A_132 = tpu.memref_slice %arg6[%dma_wait3A_130, %dma_wait3A_131] : memref<80x128xi32, #tpu.memory_space<vmem>> -> memref<76x128xi32, #tpu.memory_space<vmem>>
        %dma_wait3A_133 = arith.constant 0 : i32
        %dma_wait3A_134 = tpu.memref_slice %arg3[%run_scoped3A, %select_n3A, %dma_wait3A_133] : memref<2x2500x128xi32, #tpu.memory_space<hbm>> -> memref<1x76x128xi32, #tpu.memory_space<hbm>>
        %dma_wait3A_135 = tpu.memref_squeeze %dma_wait3A_134 : memref<1x76x128xi32, #tpu.memory_space<hbm>> -> memref<76x128xi32, #tpu.memory_space<hbm>>
        tpu.wait_dma2 semaphore(%run_scoped3A_111 : memref<!tpu.dma_semaphore, #tpu.memory_space<semaphore_mem>>) src(%dma_wait3A_135 : memref<76x128xi32, #tpu.memory_space<hbm>>) dst(%dma_wait3A_132 : memref<76x128xi32, #tpu.memory_space<vmem>>)
        tpu.yield
      }) : () -> ()
      %run_scoped3A_110 = arith.constant 1 : i32
      "tpu.region"() ({
        %run_scoped3A_111 = tpu.sem_alloc : memref<!tpu.dma_semaphore, #tpu.memory_space<semaphore_mem>>
        %dma_start3A_112 = arith.constant 0 : i32
        %dma_start3A_113 = arith.constant 0 : i32
        %dma_start3A_114 = tpu.memref_slice %arg7[%dma_start3A_112, %dma_start3A_113] : memref<80x128xi32, #tpu.memory_space<vmem>> -> memref<76x128xi32, #tpu.memory_space<vmem>>
        %dma_start3A_115 = arith.constant 0 : i32
        %dma_start3A_116 = tpu.memref_slice %arg3[%run_scoped3A_110, %select_n3A, %dma_start3A_115] : memref<2x2500x128xi32, #tpu.memory_space<hbm>> -> memref<1x76x128xi32, #tpu.memory_space<hbm>>
        %dma_start3A_117 = tpu.memref_squeeze %dma_start3A_116 : memref<1x76x128xi32, #tpu.memory_space<hbm>> -> memref<76x128xi32, #tpu.memory_space<hbm>>
        %dma_start3A_118 = arith.constant 0 : i32
        %dma_start3A_119 = arith.constant 0 : i32
        %dma_start3A_120 = tpu.memref_slice %arg7[%dma_start3A_118, %dma_start3A_119] : memref<80x128xi32, #tpu.memory_space<vmem>> -> memref<76x128xi32, #tpu.memory_space<vmem>>
        %dma_start3A_121 = arith.constant 0 : i32
        %dma_start3A_122 = tpu.memref_slice %arg3[%run_scoped3A_110, %select_n3A, %dma_start3A_121] : memref<2x2500x128xi32, #tpu.memory_space<hbm>> -> memref<1x76x128xi32, #tpu.memory_space<hbm>>
        %dma_start3A_123 = tpu.memref_squeeze %dma_start3A_122 : memref<1x76x128xi32, #tpu.memory_space<hbm>> -> memref<76x128xi32, #tpu.memory_space<hbm>>
        tpu.enqueue_dma source(%dma_start3A_123 : memref<76x128xi32, #tpu.memory_space<hbm>>) target(%dma_start3A_120 : memref<76x128xi32, #tpu.memory_space<vmem>>) target_semaphore(%run_scoped3A_111 : memref<!tpu.dma_semaphore, #tpu.memory_space<semaphore_mem>>)
        %dma_wait3A_124 = arith.constant 0 : i32
        %dma_wait3A_125 = arith.constant 0 : i32
        %dma_wait3A_126 = tpu.memref_slice %arg7[%dma_wait3A_124, %dma_wait3A_125] : memref<80x128xi32, #tpu.memory_space<vmem>> -> memref<76x128xi32, #tpu.memory_space<vmem>>
        %dma_wait3A_127 = arith.constant 0 : i32
        %dma_wait3A_128 = tpu.memref_slice %arg3[%run_scoped3A_110, %select_n3A, %dma_wait3A_127] : memref<2x2500x128xi32, #tpu.memory_space<hbm>> -> memref<1x76x128xi32, #tpu.memory_space<hbm>>
        %dma_wait3A_129 = tpu.memref_squeeze %dma_wait3A_128 : memref<1x76x128xi32, #tpu.memory_space<hbm>> -> memref<76x128xi32, #tpu.memory_space<hbm>>
        %dma_wait3A_130 = arith.constant 0 : i32
        %dma_wait3A_131 = arith.constant 0 : i32
        %dma_wait3A_132 = tpu.memref_slice %arg7[%dma_wait3A_130, %dma_wait3A_131] : memref<80x128xi32, #tpu.memory_space<vmem>> -> memref<76x128xi32, #tpu.memory_space<vmem>>
        %dma_wait3A_133 = arith.constant 0 : i32
        %dma_wait3A_134 = tpu.memref_slice %arg3[%run_scoped3A_110, %select_n3A, %dma_wait3A_133] : memref<2x2500x128xi32, #tpu.memory_space<hbm>> -> memref<1x76x128xi32, #tpu.memory_space<hbm>>
        %dma_wait3A_135 = tpu.memref_squeeze %dma_wait3A_134 : memref<1x76x128xi32, #tpu.memory_space<hbm>> -> memref<76x128xi32, #tpu.memory_space<hbm>>
        tpu.wait_dma2 semaphore(%run_scoped3A_111 : memref<!tpu.dma_semaphore, #tpu.memory_space<semaphore_mem>>) src(%dma_wait3A_135 : memref<76x128xi32, #tpu.memory_space<hbm>>) dst(%dma_wait3A_132 : memref<76x128xi32, #tpu.memory_space<vmem>>)
        tpu.yield
      }) : () -> ()
    } else {
    }
    %mul3A_33 = arith.constant 632 : i32
    %mul3A_34 = arith.muli %arg1, %mul3A_33 : i32
    "tpu.region"() ({
      %run_scoped3A = tpu.sem_alloc : memref<!tpu.dma_semaphore, #tpu.memory_space<semaphore_mem>>
      %dma_start3A_110 = arith.constant 0 : i32
      %dma_start3A_111 = tpu.memref_slice %arg12[%mul3A_34, %dma_start3A_110] : memref<10112x64xf32, #tpu.memory_space<vmem_shared>> -> memref<632x64xf32, #tpu.memory_space<vmem_shared>>
      tpu.enqueue_dma source(%arg4 : memref<632x64xf32, #tpu.memory_space<hbm>>) target(%dma_start3A_111 : memref<632x64xf32, #tpu.memory_space<vmem_shared>>) target_semaphore(%run_scoped3A : memref<!tpu.dma_semaphore, #tpu.memory_space<semaphore_mem>>)
      %dma_wait3A_112 = arith.constant 0 : i32
      %dma_wait3A_113 = tpu.memref_slice %arg12[%mul3A_34, %dma_wait3A_112] : memref<10112x64xf32, #tpu.memory_space<vmem_shared>> -> memref<632x64xf32, #tpu.memory_space<vmem_shared>>
      tpu.wait_dma2 semaphore(%run_scoped3A : memref<!tpu.dma_semaphore, #tpu.memory_space<semaphore_mem>>) src(%arg4 : memref<632x64xf32, #tpu.memory_space<hbm>>) dst(%dma_wait3A_113 : memref<632x64xf32, #tpu.memory_space<vmem_shared>>)
      tpu.yield
    }) : () -> ()
    %barrier3A = arith.constant 0 : index
    tpu.barrier barrier_id(%barrier3A)
    %dma_start3A = arith.constant 0 : i32
    %dma_start3A_35 = arith.constant 0 : i32
    %dma_start3A_36 = tpu.memref_slice %arg6[%dma_start3A, %dma_start3A_35] : memref<80x128xi32, #tpu.memory_space<vmem>> -> memref<1x128xi32, #tpu.memory_space<vmem>>
    %dma_start3A_37 = tpu.memref_squeeze %dma_start3A_36 : memref<1x128xi32, #tpu.memory_space<vmem>> -> memref<128xi32, #tpu.memory_space<vmem>>
    %dma_start3A_38 = arith.constant 0 : i32
    %dma_start3A_39 = arith.constant 0 : i32
    %dma_start3A_40 = tpu.memref_slice %arg2[%dma_start3A_38, %dma_start3A_39] : memref<10000x64xf32, #tpu.memory_space<hbm>> -> memref<10000x64xf32, #tpu.memory_space<hbm>>
    tpu.enqueue_indirect_dma source(%dma_start3A_40 : memref<10000x64xf32, #tpu.memory_space<hbm>>) target(%arg8 : memref<128x64xf32, #tpu.memory_space<vmem>>) offsets(%dma_start3A_37 : memref<128xi32, #tpu.memory_space<vmem>>) semaphore(%arg13 : memref<!tpu.dma_semaphore, #tpu.memory_space<semaphore_mem>>)
    %dma_start3A_41 = arith.constant 1 : i32
    %dma_start3A_42 = arith.constant 0 : i32
    %dma_start3A_43 = tpu.memref_slice %arg6[%dma_start3A_41, %dma_start3A_42] : memref<80x128xi32, #tpu.memory_space<vmem>> -> memref<1x128xi32, #tpu.memory_space<vmem>>
    %dma_start3A_44 = tpu.memref_squeeze %dma_start3A_43 : memref<1x128xi32, #tpu.memory_space<vmem>> -> memref<128xi32, #tpu.memory_space<vmem>>
    %dma_start3A_45 = arith.constant 0 : i32
    %dma_start3A_46 = arith.constant 0 : i32
    %dma_start3A_47 = tpu.memref_slice %arg2[%dma_start3A_45, %dma_start3A_46] : memref<10000x64xf32, #tpu.memory_space<hbm>> -> memref<10000x64xf32, #tpu.memory_space<hbm>>
    tpu.enqueue_indirect_dma source(%dma_start3A_47 : memref<10000x64xf32, #tpu.memory_space<hbm>>) target(%arg9 : memref<128x64xf32, #tpu.memory_space<vmem>>) offsets(%dma_start3A_44 : memref<128xi32, #tpu.memory_space<vmem>>) semaphore(%arg14 : memref<!tpu.dma_semaphore, #tpu.memory_space<semaphore_mem>>)
    %dma_start3A_48 = arith.constant 2 : i32
    %dma_start3A_49 = arith.constant 0 : i32
    %dma_start3A_50 = tpu.memref_slice %arg6[%dma_start3A_48, %dma_start3A_49] : memref<80x128xi32, #tpu.memory_space<vmem>> -> memref<1x128xi32, #tpu.memory_space<vmem>>
    %dma_start3A_51 = tpu.memref_squeeze %dma_start3A_50 : memref<1x128xi32, #tpu.memory_space<vmem>> -> memref<128xi32, #tpu.memory_space<vmem>>
    %dma_start3A_52 = arith.constant 0 : i32
    %dma_start3A_53 = arith.constant 0 : i32
    %dma_start3A_54 = tpu.memref_slice %arg2[%dma_start3A_52, %dma_start3A_53] : memref<10000x64xf32, #tpu.memory_space<hbm>> -> memref<10000x64xf32, #tpu.memory_space<hbm>>
    tpu.enqueue_indirect_dma source(%dma_start3A_54 : memref<10000x64xf32, #tpu.memory_space<hbm>>) target(%arg10 : memref<128x64xf32, #tpu.memory_space<vmem>>) offsets(%dma_start3A_51 : memref<128xi32, #tpu.memory_space<vmem>>) semaphore(%arg15 : memref<!tpu.dma_semaphore, #tpu.memory_space<semaphore_mem>>)
    %jit3A_55 = arith.constant 4 : i32
    %div3A = arith.divsi %select_n3A_15, %jit3A_55 : i32
    %sign3A = arith.constant 0 : i32
    %sign3A_56 = arith.cmpi sgt, %select_n3A_15, %sign3A : i32
    %sign3A_57 = arith.extui %sign3A_56 : i1 to i32
    %sign3A_58 = arith.constant 0 : i32
    %sign3A_59 = arith.cmpi slt, %select_n3A_15, %sign3A_58 : i32
    %sign3A_60 = arith.extui %sign3A_59 : i1 to i32
    %sign3A_61 = arith.subi %sign3A_57, %sign3A_60 : i32
    %sign3A_62 = arith.constant 0 : i32
    %sign3A_63 = arith.cmpi sgt, %jit3A_55, %sign3A_62 : i32
    %sign3A_64 = arith.extui %sign3A_63 : i1 to i32
    %sign3A_65 = arith.constant 0 : i32
    %sign3A_66 = arith.cmpi slt, %jit3A_55, %sign3A_65 : i32
    %sign3A_67 = arith.extui %sign3A_66 : i1 to i32
    %sign3A_68 = arith.subi %sign3A_64, %sign3A_67 : i32
    %ne3A = arith.cmpi ne, %sign3A_61, %sign3A_68 : i32
    %rem3A = arith.remsi %select_n3A_15, %jit3A_55 : i32
    %ne3A_69 = arith.constant 0 : i32
    %ne3A_70 = arith.cmpi ne, %rem3A, %ne3A_69 : i32
    %and3A_71 = arith.andi %ne3A, %ne3A_70 : i1
    %sub3A = arith.constant 1 : i32
    %sub3A_72 = arith.subi %div3A, %sub3A : i32
    %select_n3A_73 = arith.select %and3A_71, %sub3A_72, %div3A : i32
    %while3A = arith.constant 0 : i32
    %while3A_74 = arith.constant 0 : i32
    %while3A_75 = arith.subi %select_n3A_73, %while3A_74 : i32
    %while3A_76 = arith.addi %while3A_74, %while3A_75 : i32
    %while3A_77 = arith.constant 1 : i32
    %while3A_78 = arith.divsi %while3A_75, %while3A_77 : i32
    %while3A_79 = arith.muli %while3A_78, %while3A_77 : i32
    %while3A_80 = arith.addi %while3A_74, %while3A_79 : i32
    %while3A_81 = arith.constant 1 : i32
    scf.for %while3A_110 = %while3A_74 to %while3A_80 step %while3A_81  : i32 {
      %mul3A_111 = arith.constant 4 : i32
      %mul3A_112 = arith.muli %mul3A_111, %while3A_110 : i32
      %add3A_113 = arith.constant 4 : i32
      %add3A_114 = arith.addi %mul3A_112, %add3A_113 : i32
      %sub3A_115 = arith.constant 1 : i32
      %sub3A_116 = arith.subi %add3A_114, %sub3A_115 : i32
      %add3A_117 = arith.constant 0 : i32
      %add3A_118 = arith.addi %sub3A_116, %add3A_117 : i32
      %rem3A_119 = arith.remsi %add3A_118, %select_n3A_15 : i32
      %dma_start3A_120 = arith.constant 0 : i32
      %dma_start3A_121 = tpu.memref_slice %arg6[%rem3A_119, %dma_start3A_120] : memref<80x128xi32, #tpu.memory_space<vmem>> -> memref<1x128xi32, #tpu.memory_space<vmem>>
      %dma_start3A_122 = tpu.memref_squeeze %dma_start3A_121 : memref<1x128xi32, #tpu.memory_space<vmem>> -> memref<128xi32, #tpu.memory_space<vmem>>
      %dma_start3A_123 = arith.constant 0 : i32
      %dma_start3A_124 = arith.constant 0 : i32
      %dma_start3A_125 = tpu.memref_slice %arg2[%dma_start3A_123, %dma_start3A_124] : memref<10000x64xf32, #tpu.memory_space<hbm>> -> memref<10000x64xf32, #tpu.memory_space<hbm>>
      tpu.enqueue_indirect_dma source(%dma_start3A_125 : memref<10000x64xf32, #tpu.memory_space<hbm>>) target(%arg11 : memref<128x64xf32, #tpu.memory_space<vmem>>) offsets(%dma_start3A_122 : memref<128xi32, #tpu.memory_space<vmem>>) semaphore(%arg16 : memref<!tpu.dma_semaphore, #tpu.memory_space<semaphore_mem>>)
      %add3A_126 = arith.constant 0 : i32
      %add3A_127 = arith.addi %mul3A_112, %add3A_126 : i32
      %dma_wait3A_128 = arith.constant 0 : i32
      %dma_wait3A_129 = tpu.memref_slice %arg6[%add3A_127, %dma_wait3A_128] : memref<80x128xi32, #tpu.memory_space<vmem>> -> memref<1x128xi32, #tpu.memory_space<vmem>>
      %dma_wait3A_130 = tpu.memref_squeeze %dma_wait3A_129 : memref<1x128xi32, #tpu.memory_space<vmem>> -> memref<128xi32, #tpu.memory_space<vmem>>
      %dma_wait3A_131 = arith.constant 0 : i32
      %dma_wait3A_132 = arith.constant 0 : i32
      %dma_wait3A_133 = tpu.memref_slice %arg2[%dma_wait3A_131, %dma_wait3A_132] : memref<10000x64xf32, #tpu.memory_space<hbm>> -> memref<10000x64xf32, #tpu.memory_space<hbm>>
      tpu.wait_indirect_dma semaphore(%arg13 : memref<!tpu.dma_semaphore, #tpu.memory_space<semaphore_mem>>) src(%dma_wait3A_133 : memref<10000x64xf32, #tpu.memory_space<hbm>>) dst(%arg8 : memref<128x64xf32, #tpu.memory_space<vmem>>)
      %add3A_134 = arith.constant 0 : i32
      %add3A_135 = arith.addi %mul3A_112, %add3A_134 : i32
      "tpu.region"() ({
        %run_scoped3A = tpu.sem_alloc : memref<!tpu.dma_semaphore, #tpu.memory_space<semaphore_mem>>
        %dma_start3A_205 = arith.constant 0 : i32
        %dma_start3A_206 = tpu.memref_slice %arg7[%add3A_135, %dma_start3A_205] : memref<80x128xi32, #tpu.memory_space<vmem>> -> memref<1x128xi32, #tpu.memory_space<vmem>>
        %dma_start3A_207 = tpu.memref_squeeze %dma_start3A_206 : memref<1x128xi32, #tpu.memory_space<vmem>> -> memref<128xi32, #tpu.memory_space<vmem>>
        %dma_start3A_208 = arith.constant 0 : i32
        %dma_start3A_209 = arith.constant 0 : i32
        %dma_start3A_210 = tpu.memref_slice %arg12[%dma_start3A_208, %dma_start3A_209] : memref<10112x64xf32, #tpu.memory_space<vmem_shared>> -> memref<10112x64xf32, #tpu.memory_space<vmem_shared>>
        tpu.enqueue_indirect_dma source(%arg8 : memref<128x64xf32, #tpu.memory_space<vmem>>) target(%dma_start3A_210 : memref<10112x64xf32, #tpu.memory_space<vmem_shared>>) offsets(%dma_start3A_207 : memref<128xi32, #tpu.memory_space<vmem>>) semaphore(%run_scoped3A : memref<!tpu.dma_semaphore, #tpu.memory_space<semaphore_mem>>) {add = true}
        %dma_wait3A_211 = arith.constant 0 : i32
        %dma_wait3A_212 = tpu.memref_slice %arg7[%add3A_135, %dma_wait3A_211] : memref<80x128xi32, #tpu.memory_space<vmem>> -> memref<1x128xi32, #tpu.memory_space<vmem>>
        %dma_wait3A_213 = tpu.memref_squeeze %dma_wait3A_212 : memref<1x128xi32, #tpu.memory_space<vmem>> -> memref<128xi32, #tpu.memory_space<vmem>>
        %dma_wait3A_214 = arith.constant 0 : i32
        %dma_wait3A_215 = arith.constant 0 : i32
        %dma_wait3A_216 = tpu.memref_slice %arg12[%dma_wait3A_214, %dma_wait3A_215] : memref<10112x64xf32, #tpu.memory_space<vmem_shared>> -> memref<10112x64xf32, #tpu.memory_space<vmem_shared>>
        tpu.wait_indirect_dma semaphore(%run_scoped3A : memref<!tpu.dma_semaphore, #tpu.memory_space<semaphore_mem>>) src(%arg8 : memref<128x64xf32, #tpu.memory_space<vmem>>) dst(%dma_wait3A_216 : memref<10112x64xf32, #tpu.memory_space<vmem_shared>>)
        tpu.yield
      }) : () -> ()
      %add3A_136 = arith.constant 4 : i32
      %add3A_137 = arith.addi %mul3A_112, %add3A_136 : i32
      %sub3A_138 = arith.constant 1 : i32
      %sub3A_139 = arith.subi %add3A_137, %sub3A_138 : i32
      %add3A_140 = arith.constant 1 : i32
      %add3A_141 = arith.addi %sub3A_139, %add3A_140 : i32
      %rem3A_142 = arith.remsi %add3A_141, %select_n3A_15 : i32
      %dma_start3A_143 = arith.constant 0 : i32
      %dma_start3A_144 = tpu.memref_slice %arg6[%rem3A_142, %dma_start3A_143] : memref<80x128xi32, #tpu.memory_space<vmem>> -> memref<1x128xi32, #tpu.memory_space<vmem>>
      %dma_start3A_145 = tpu.memref_squeeze %dma_start3A_144 : memref<1x128xi32, #tpu.memory_space<vmem>> -> memref<128xi32, #tpu.memory_space<vmem>>
      %dma_start3A_146 = arith.constant 0 : i32
      %dma_start3A_147 = arith.constant 0 : i32
      %dma_start3A_148 = tpu.memref_slice %arg2[%dma_start3A_146, %dma_start3A_147] : memref<10000x64xf32, #tpu.memory_space<hbm>> -> memref<10000x64xf32, #tpu.memory_space<hbm>>
      tpu.enqueue_indirect_dma source(%dma_start3A_148 : memref<10000x64xf32, #tpu.memory_space<hbm>>) target(%arg8 : memref<128x64xf32, #tpu.memory_space<vmem>>) offsets(%dma_start3A_145 : memref<128xi32, #tpu.memory_space<vmem>>) semaphore(%arg13 : memref<!tpu.dma_semaphore, #tpu.memory_space<semaphore_mem>>)
      %add3A_149 = arith.constant 1 : i32
      %add3A_150 = arith.addi %mul3A_112, %add3A_149 : i32
      %dma_wait3A_151 = arith.constant 0 : i32
      %dma_wait3A_152 = tpu.memref_slice %arg6[%add3A_150, %dma_wait3A_151] : memref<80x128xi32, #tpu.memory_space<vmem>> -> memref<1x128xi32, #tpu.memory_space<vmem>>
      %dma_wait3A_153 = tpu.memref_squeeze %dma_wait3A_152 : memref<1x128xi32, #tpu.memory_space<vmem>> -> memref<128xi32, #tpu.memory_space<vmem>>
      %dma_wait3A_154 = arith.constant 0 : i32
      %dma_wait3A_155 = arith.constant 0 : i32
      %dma_wait3A_156 = tpu.memref_slice %arg2[%dma_wait3A_154, %dma_wait3A_155] : memref<10000x64xf32, #tpu.memory_space<hbm>> -> memref<10000x64xf32, #tpu.memory_space<hbm>>
      tpu.wait_indirect_dma semaphore(%arg14 : memref<!tpu.dma_semaphore, #tpu.memory_space<semaphore_mem>>) src(%dma_wait3A_156 : memref<10000x64xf32, #tpu.memory_space<hbm>>) dst(%arg9 : memref<128x64xf32, #tpu.memory_space<vmem>>)
      %add3A_157 = arith.constant 1 : i32
      %add3A_158 = arith.addi %mul3A_112, %add3A_157 : i32
      "tpu.region"() ({
        %run_scoped3A = tpu.sem_alloc : memref<!tpu.dma_semaphore, #tpu.memory_space<semaphore_mem>>
        %dma_start3A_205 = arith.constant 0 : i32
        %dma_start3A_206 = tpu.memref_slice %arg7[%add3A_158, %dma_start3A_205] : memref<80x128xi32, #tpu.memory_space<vmem>> -> memref<1x128xi32, #tpu.memory_space<vmem>>
        %dma_start3A_207 = tpu.memref_squeeze %dma_start3A_206 : memref<1x128xi32, #tpu.memory_space<vmem>> -> memref<128xi32, #tpu.memory_space<vmem>>
        %dma_start3A_208 = arith.constant 0 : i32
        %dma_start3A_209 = arith.constant 0 : i32
        %dma_start3A_210 = tpu.memref_slice %arg12[%dma_start3A_208, %dma_start3A_209] : memref<10112x64xf32, #tpu.memory_space<vmem_shared>> -> memref<10112x64xf32, #tpu.memory_space<vmem_shared>>
        tpu.enqueue_indirect_dma source(%arg9 : memref<128x64xf32, #tpu.memory_space<vmem>>) target(%dma_start3A_210 : memref<10112x64xf32, #tpu.memory_space<vmem_shared>>) offsets(%dma_start3A_207 : memref<128xi32, #tpu.memory_space<vmem>>) semaphore(%run_scoped3A : memref<!tpu.dma_semaphore, #tpu.memory_space<semaphore_mem>>) {add = true}
        %dma_wait3A_211 = arith.constant 0 : i32
        %dma_wait3A_212 = tpu.memref_slice %arg7[%add3A_158, %dma_wait3A_211] : memref<80x128xi32, #tpu.memory_space<vmem>> -> memref<1x128xi32, #tpu.memory_space<vmem>>
        %dma_wait3A_213 = tpu.memref_squeeze %dma_wait3A_212 : memref<1x128xi32, #tpu.memory_space<vmem>> -> memref<128xi32, #tpu.memory_space<vmem>>
        %dma_wait3A_214 = arith.constant 0 : i32
        %dma_wait3A_215 = arith.constant 0 : i32
        %dma_wait3A_216 = tpu.memref_slice %arg12[%dma_wait3A_214, %dma_wait3A_215] : memref<10112x64xf32, #tpu.memory_space<vmem_shared>> -> memref<10112x64xf32, #tpu.memory_space<vmem_shared>>
        tpu.wait_indirect_dma semaphore(%run_scoped3A : memref<!tpu.dma_semaphore, #tpu.memory_space<semaphore_mem>>) src(%arg9 : memref<128x64xf32, #tpu.memory_space<vmem>>) dst(%dma_wait3A_216 : memref<10112x64xf32, #tpu.memory_space<vmem_shared>>)
        tpu.yield
      }) : () -> ()
      %add3A_159 = arith.constant 4 : i32
      %add3A_160 = arith.addi %mul3A_112, %add3A_159 : i32
      %sub3A_161 = arith.constant 1 : i32
      %sub3A_162 = arith.subi %add3A_160, %sub3A_161 : i32
      %add3A_163 = arith.constant 2 : i32
      %add3A_164 = arith.addi %sub3A_162, %add3A_163 : i32
      %rem3A_165 = arith.remsi %add3A_164, %select_n3A_15 : i32
      %dma_start3A_166 = arith.constant 0 : i32
      %dma_start3A_167 = tpu.memref_slice %arg6[%rem3A_165, %dma_start3A_166] : memref<80x128xi32, #tpu.memory_space<vmem>> -> memref<1x128xi32, #tpu.memory_space<vmem>>
      %dma_start3A_168 = tpu.memref_squeeze %dma_start3A_167 : memref<1x128xi32, #tpu.memory_space<vmem>> -> memref<128xi32, #tpu.memory_space<vmem>>
      %dma_start3A_169 = arith.constant 0 : i32
      %dma_start3A_170 = arith.constant 0 : i32
      %dma_start3A_171 = tpu.memref_slice %arg2[%dma_start3A_169, %dma_start3A_170] : memref<10000x64xf32, #tpu.memory_space<hbm>> -> memref<10000x64xf32, #tpu.memory_space<hbm>>
      tpu.enqueue_indirect_dma source(%dma_start3A_171 : memref<10000x64xf32, #tpu.memory_space<hbm>>) target(%arg9 : memref<128x64xf32, #tpu.memory_space<vmem>>) offsets(%dma_start3A_168 : memref<128xi32, #tpu.memory_space<vmem>>) semaphore(%arg14 : memref<!tpu.dma_semaphore, #tpu.memory_space<semaphore_mem>>)
      %add3A_172 = arith.constant 2 : i32
      %add3A_173 = arith.addi %mul3A_112, %add3A_172 : i32
      %dma_wait3A_174 = arith.constant 0 : i32
      %dma_wait3A_175 = tpu.memref_slice %arg6[%add3A_173, %dma_wait3A_174] : memref<80x128xi32, #tpu.memory_space<vmem>> -> memref<1x128xi32, #tpu.memory_space<vmem>>
      %dma_wait3A_176 = tpu.memref_squeeze %dma_wait3A_175 : memref<1x128xi32, #tpu.memory_space<vmem>> -> memref<128xi32, #tpu.memory_space<vmem>>
      %dma_wait3A_177 = arith.constant 0 : i32
      %dma_wait3A_178 = arith.constant 0 : i32
      %dma_wait3A_179 = tpu.memref_slice %arg2[%dma_wait3A_177, %dma_wait3A_178] : memref<10000x64xf32, #tpu.memory_space<hbm>> -> memref<10000x64xf32, #tpu.memory_space<hbm>>
      tpu.wait_indirect_dma semaphore(%arg15 : memref<!tpu.dma_semaphore, #tpu.memory_space<semaphore_mem>>) src(%dma_wait3A_179 : memref<10000x64xf32, #tpu.memory_space<hbm>>) dst(%arg10 : memref<128x64xf32, #tpu.memory_space<vmem>>)
      %add3A_180 = arith.constant 2 : i32
      %add3A_181 = arith.addi %mul3A_112, %add3A_180 : i32
      "tpu.region"() ({
        %run_scoped3A = tpu.sem_alloc : memref<!tpu.dma_semaphore, #tpu.memory_space<semaphore_mem>>
        %dma_start3A_205 = arith.constant 0 : i32
        %dma_start3A_206 = tpu.memref_slice %arg7[%add3A_181, %dma_start3A_205] : memref<80x128xi32, #tpu.memory_space<vmem>> -> memref<1x128xi32, #tpu.memory_space<vmem>>
        %dma_start3A_207 = tpu.memref_squeeze %dma_start3A_206 : memref<1x128xi32, #tpu.memory_space<vmem>> -> memref<128xi32, #tpu.memory_space<vmem>>
        %dma_start3A_208 = arith.constant 0 : i32
        %dma_start3A_209 = arith.constant 0 : i32
        %dma_start3A_210 = tpu.memref_slice %arg12[%dma_start3A_208, %dma_start3A_209] : memref<10112x64xf32, #tpu.memory_space<vmem_shared>> -> memref<10112x64xf32, #tpu.memory_space<vmem_shared>>
        tpu.enqueue_indirect_dma source(%arg10 : memref<128x64xf32, #tpu.memory_space<vmem>>) target(%dma_start3A_210 : memref<10112x64xf32, #tpu.memory_space<vmem_shared>>) offsets(%dma_start3A_207 : memref<128xi32, #tpu.memory_space<vmem>>) semaphore(%run_scoped3A : memref<!tpu.dma_semaphore, #tpu.memory_space<semaphore_mem>>) {add = true}
        %dma_wait3A_211 = arith.constant 0 : i32
        %dma_wait3A_212 = tpu.memref_slice %arg7[%add3A_181, %dma_wait3A_211] : memref<80x128xi32, #tpu.memory_space<vmem>> -> memref<1x128xi32, #tpu.memory_space<vmem>>
        %dma_wait3A_213 = tpu.memref_squeeze %dma_wait3A_212 : memref<1x128xi32, #tpu.memory_space<vmem>> -> memref<128xi32, #tpu.memory_space<vmem>>
        %dma_wait3A_214 = arith.constant 0 : i32
        %dma_wait3A_215 = arith.constant 0 : i32
        %dma_wait3A_216 = tpu.memref_slice %arg12[%dma_wait3A_214, %dma_wait3A_215] : memref<10112x64xf32, #tpu.memory_space<vmem_shared>> -> memref<10112x64xf32, #tpu.memory_space<vmem_shared>>
        tpu.wait_indirect_dma semaphore(%run_scoped3A : memref<!tpu.dma_semaphore, #tpu.memory_space<semaphore_mem>>) src(%arg10 : memref<128x64xf32, #tpu.memory_space<vmem>>) dst(%dma_wait3A_216 : memref<10112x64xf32, #tpu.memory_space<vmem_shared>>)
        tpu.yield
      }) : () -> ()
      %add3A_182 = arith.constant 4 : i32
      %add3A_183 = arith.addi %mul3A_112, %add3A_182 : i32
      %sub3A_184 = arith.constant 1 : i32
      %sub3A_185 = arith.subi %add3A_183, %sub3A_184 : i32
      %add3A_186 = arith.constant 3 : i32
      %add3A_187 = arith.addi %sub3A_185, %add3A_186 : i32
      %rem3A_188 = arith.remsi %add3A_187, %select_n3A_15 : i32
      %dma_start3A_189 = arith.constant 0 : i32
      %dma_start3A_190 = tpu.memref_slice %arg6[%rem3A_188, %dma_start3A_189] : memref<80x128xi32, #tpu.memory_space<vmem>> -> memref<1x128xi32, #tpu.memory_space<vmem>>
      %dma_start3A_191 = tpu.memref_squeeze %dma_start3A_190 : memref<1x128xi32, #tpu.memory_space<vmem>> -> memref<128xi32, #tpu.memory_space<vmem>>
      %dma_start3A_192 = arith.constant 0 : i32
      %dma_start3A_193 = arith.constant 0 : i32
      %dma_start3A_194 = tpu.memref_slice %arg2[%dma_start3A_192, %dma_start3A_193] : memref<10000x64xf32, #tpu.memory_space<hbm>> -> memref<10000x64xf32, #tpu.memory_space<hbm>>
      tpu.enqueue_indirect_dma source(%dma_start3A_194 : memref<10000x64xf32, #tpu.memory_space<hbm>>) target(%arg10 : memref<128x64xf32, #tpu.memory_space<vmem>>) offsets(%dma_start3A_191 : memref<128xi32, #tpu.memory_space<vmem>>) semaphore(%arg15 : memref<!tpu.dma_semaphore, #tpu.memory_space<semaphore_mem>>)
      %add3A_195 = arith.constant 3 : i32
      %add3A_196 = arith.addi %mul3A_112, %add3A_195 : i32
      %dma_wait3A_197 = arith.constant 0 : i32
      %dma_wait3A_198 = tpu.memref_slice %arg6[%add3A_196, %dma_wait3A_197] : memref<80x128xi32, #tpu.memory_space<vmem>> -> memref<1x128xi32, #tpu.memory_space<vmem>>
      %dma_wait3A_199 = tpu.memref_squeeze %dma_wait3A_198 : memref<1x128xi32, #tpu.memory_space<vmem>> -> memref<128xi32, #tpu.memory_space<vmem>>
      %dma_wait3A_200 = arith.constant 0 : i32
      %dma_wait3A_201 = arith.constant 0 : i32
      %dma_wait3A_202 = tpu.memref_slice %arg2[%dma_wait3A_200, %dma_wait3A_201] : memref<10000x64xf32, #tpu.memory_space<hbm>> -> memref<10000x64xf32, #tpu.memory_space<hbm>>
      tpu.wait_indirect_dma semaphore(%arg16 : memref<!tpu.dma_semaphore, #tpu.memory_space<semaphore_mem>>) src(%dma_wait3A_202 : memref<10000x64xf32, #tpu.memory_space<hbm>>) dst(%arg11 : memref<128x64xf32, #tpu.memory_space<vmem>>)
      %add3A_203 = arith.constant 3 : i32
      %add3A_204 = arith.addi %mul3A_112, %add3A_203 : i32
      "tpu.region"() ({
        %run_scoped3A = tpu.sem_alloc : memref<!tpu.dma_semaphore, #tpu.memory_space<semaphore_mem>>
        %dma_start3A_205 = arith.constant 0 : i32
        %dma_start3A_206 = tpu.memref_slice %arg7[%add3A_204, %dma_start3A_205] : memref<80x128xi32, #tpu.memory_space<vmem>> -> memref<1x128xi32, #tpu.memory_space<vmem>>
        %dma_start3A_207 = tpu.memref_squeeze %dma_start3A_206 : memref<1x128xi32, #tpu.memory_space<vmem>> -> memref<128xi32, #tpu.memory_space<vmem>>
        %dma_start3A_208 = arith.constant 0 : i32
        %dma_start3A_209 = arith.constant 0 : i32
        %dma_start3A_210 = tpu.memref_slice %arg12[%dma_start3A_208, %dma_start3A_209] : memref<10112x64xf32, #tpu.memory_space<vmem_shared>> -> memref<10112x64xf32, #tpu.memory_space<vmem_shared>>
        tpu.enqueue_indirect_dma source(%arg11 : memref<128x64xf32, #tpu.memory_space<vmem>>) target(%dma_start3A_210 : memref<10112x64xf32, #tpu.memory_space<vmem_shared>>) offsets(%dma_start3A_207 : memref<128xi32, #tpu.memory_space<vmem>>) semaphore(%run_scoped3A : memref<!tpu.dma_semaphore, #tpu.memory_space<semaphore_mem>>) {add = true}
        %dma_wait3A_211 = arith.constant 0 : i32
        %dma_wait3A_212 = tpu.memref_slice %arg7[%add3A_204, %dma_wait3A_211] : memref<80x128xi32, #tpu.memory_space<vmem>> -> memref<1x128xi32, #tpu.memory_space<vmem>>
        %dma_wait3A_213 = tpu.memref_squeeze %dma_wait3A_212 : memref<1x128xi32, #tpu.memory_space<vmem>> -> memref<128xi32, #tpu.memory_space<vmem>>
        %dma_wait3A_214 = arith.constant 0 : i32
        %dma_wait3A_215 = arith.constant 0 : i32
        %dma_wait3A_216 = tpu.memref_slice %arg12[%dma_wait3A_214, %dma_wait3A_215] : memref<10112x64xf32, #tpu.memory_space<vmem_shared>> -> memref<10112x64xf32, #tpu.memory_space<vmem_shared>>
        tpu.wait_indirect_dma semaphore(%run_scoped3A : memref<!tpu.dma_semaphore, #tpu.memory_space<semaphore_mem>>) src(%arg11 : memref<128x64xf32, #tpu.memory_space<vmem>>) dst(%dma_wait3A_216 : memref<10112x64xf32, #tpu.memory_space<vmem_shared>>)
        tpu.yield
      }) : () -> ()
    }
    %while3A_82 = arith.constant 1 : i32
    scf.for %while3A_110 = %while3A_80 to %while3A_76 step %while3A_82  : i32 {
      %mul3A_111 = arith.constant 4 : i32
      %mul3A_112 = arith.muli %mul3A_111, %while3A_110 : i32
      %add3A_113 = arith.constant 4 : i32
      %add3A_114 = arith.addi %mul3A_112, %add3A_113 : i32
      %sub3A_115 = arith.constant 1 : i32
      %sub3A_116 = arith.subi %add3A_114, %sub3A_115 : i32
      %add3A_117 = arith.constant 0 : i32
      %add3A_118 = arith.addi %sub3A_116, %add3A_117 : i32
      %rem3A_119 = arith.remsi %add3A_118, %select_n3A_15 : i32
      %dma_start3A_120 = arith.constant 0 : i32
      %dma_start3A_121 = tpu.memref_slice %arg6[%rem3A_119, %dma_start3A_120] : memref<80x128xi32, #tpu.memory_space<vmem>> -> memref<1x128xi32, #tpu.memory_space<vmem>>
      %dma_start3A_122 = tpu.memref_squeeze %dma_start3A_121 : memref<1x128xi32, #tpu.memory_space<vmem>> -> memref<128xi32, #tpu.memory_space<vmem>>
      %dma_start3A_123 = arith.constant 0 : i32
      %dma_start3A_124 = arith.constant 0 : i32
      %dma_start3A_125 = tpu.memref_slice %arg2[%dma_start3A_123, %dma_start3A_124] : memref<10000x64xf32, #tpu.memory_space<hbm>> -> memref<10000x64xf32, #tpu.memory_space<hbm>>
      tpu.enqueue_indirect_dma source(%dma_start3A_125 : memref<10000x64xf32, #tpu.memory_space<hbm>>) target(%arg11 : memref<128x64xf32, #tpu.memory_space<vmem>>) offsets(%dma_start3A_122 : memref<128xi32, #tpu.memory_space<vmem>>) semaphore(%arg16 : memref<!tpu.dma_semaphore, #tpu.memory_space<semaphore_mem>>)
      %add3A_126 = arith.constant 0 : i32
      %add3A_127 = arith.addi %mul3A_112, %add3A_126 : i32
      %dma_wait3A_128 = arith.constant 0 : i32
      %dma_wait3A_129 = tpu.memref_slice %arg6[%add3A_127, %dma_wait3A_128] : memref<80x128xi32, #tpu.memory_space<vmem>> -> memref<1x128xi32, #tpu.memory_space<vmem>>
      %dma_wait3A_130 = tpu.memref_squeeze %dma_wait3A_129 : memref<1x128xi32, #tpu.memory_space<vmem>> -> memref<128xi32, #tpu.memory_space<vmem>>
      %dma_wait3A_131 = arith.constant 0 : i32
      %dma_wait3A_132 = arith.constant 0 : i32
      %dma_wait3A_133 = tpu.memref_slice %arg2[%dma_wait3A_131, %dma_wait3A_132] : memref<10000x64xf32, #tpu.memory_space<hbm>> -> memref<10000x64xf32, #tpu.memory_space<hbm>>
      tpu.wait_indirect_dma semaphore(%arg13 : memref<!tpu.dma_semaphore, #tpu.memory_space<semaphore_mem>>) src(%dma_wait3A_133 : memref<10000x64xf32, #tpu.memory_space<hbm>>) dst(%arg8 : memref<128x64xf32, #tpu.memory_space<vmem>>)
      %add3A_134 = arith.constant 0 : i32
      %add3A_135 = arith.addi %mul3A_112, %add3A_134 : i32
      "tpu.region"() ({
        %run_scoped3A = tpu.sem_alloc : memref<!tpu.dma_semaphore, #tpu.memory_space<semaphore_mem>>
        %dma_start3A_205 = arith.constant 0 : i32
        %dma_start3A_206 = tpu.memref_slice %arg7[%add3A_135, %dma_start3A_205] : memref<80x128xi32, #tpu.memory_space<vmem>> -> memref<1x128xi32, #tpu.memory_space<vmem>>
        %dma_start3A_207 = tpu.memref_squeeze %dma_start3A_206 : memref<1x128xi32, #tpu.memory_space<vmem>> -> memref<128xi32, #tpu.memory_space<vmem>>
        %dma_start3A_208 = arith.constant 0 : i32
        %dma_start3A_209 = arith.constant 0 : i32
        %dma_start3A_210 = tpu.memref_slice %arg12[%dma_start3A_208, %dma_start3A_209] : memref<10112x64xf32, #tpu.memory_space<vmem_shared>> -> memref<10112x64xf32, #tpu.memory_space<vmem_shared>>
        tpu.enqueue_indirect_dma source(%arg8 : memref<128x64xf32, #tpu.memory_space<vmem>>) target(%dma_start3A_210 : memref<10112x64xf32, #tpu.memory_space<vmem_shared>>) offsets(%dma_start3A_207 : memref<128xi32, #tpu.memory_space<vmem>>) semaphore(%run_scoped3A : memref<!tpu.dma_semaphore, #tpu.memory_space<semaphore_mem>>) {add = true}
        %dma_wait3A_211 = arith.constant 0 : i32
        %dma_wait3A_212 = tpu.memref_slice %arg7[%add3A_135, %dma_wait3A_211] : memref<80x128xi32, #tpu.memory_space<vmem>> -> memref<1x128xi32, #tpu.memory_space<vmem>>
        %dma_wait3A_213 = tpu.memref_squeeze %dma_wait3A_212 : memref<1x128xi32, #tpu.memory_space<vmem>> -> memref<128xi32, #tpu.memory_space<vmem>>
        %dma_wait3A_214 = arith.constant 0 : i32
        %dma_wait3A_215 = arith.constant 0 : i32
        %dma_wait3A_216 = tpu.memref_slice %arg12[%dma_wait3A_214, %dma_wait3A_215] : memref<10112x64xf32, #tpu.memory_space<vmem_shared>> -> memref<10112x64xf32, #tpu.memory_space<vmem_shared>>
        tpu.wait_indirect_dma semaphore(%run_scoped3A : memref<!tpu.dma_semaphore, #tpu.memory_space<semaphore_mem>>) src(%arg8 : memref<128x64xf32, #tpu.memory_space<vmem>>) dst(%dma_wait3A_216 : memref<10112x64xf32, #tpu.memory_space<vmem_shared>>)
        tpu.yield
      }) : () -> ()
      %add3A_136 = arith.constant 4 : i32
      %add3A_137 = arith.addi %mul3A_112, %add3A_136 : i32
      %sub3A_138 = arith.constant 1 : i32
      %sub3A_139 = arith.subi %add3A_137, %sub3A_138 : i32
      %add3A_140 = arith.constant 1 : i32
      %add3A_141 = arith.addi %sub3A_139, %add3A_140 : i32
      %rem3A_142 = arith.remsi %add3A_141, %select_n3A_15 : i32
      %dma_start3A_143 = arith.constant 0 : i32
      %dma_start3A_144 = tpu.memref_slice %arg6[%rem3A_142, %dma_start3A_143] : memref<80x128xi32, #tpu.memory_space<vmem>> -> memref<1x128xi32, #tpu.memory_space<vmem>>
      %dma_start3A_145 = tpu.memref_squeeze %dma_start3A_144 : memref<1x128xi32, #tpu.memory_space<vmem>> -> memref<128xi32, #tpu.memory_space<vmem>>
      %dma_start3A_146 = arith.constant 0 : i32
      %dma_start3A_147 = arith.constant 0 : i32
      %dma_start3A_148 = tpu.memref_slice %arg2[%dma_start3A_146, %dma_start3A_147] : memref<10000x64xf32, #tpu.memory_space<hbm>> -> memref<10000x64xf32, #tpu.memory_space<hbm>>
      tpu.enqueue_indirect_dma source(%dma_start3A_148 : memref<10000x64xf32, #tpu.memory_space<hbm>>) target(%arg8 : memref<128x64xf32, #tpu.memory_space<vmem>>) offsets(%dma_start3A_145 : memref<128xi32, #tpu.memory_space<vmem>>) semaphore(%arg13 : memref<!tpu.dma_semaphore, #tpu.memory_space<semaphore_mem>>)
      %add3A_149 = arith.constant 1 : i32
      %add3A_150 = arith.addi %mul3A_112, %add3A_149 : i32
      %dma_wait3A_151 = arith.constant 0 : i32
      %dma_wait3A_152 = tpu.memref_slice %arg6[%add3A_150, %dma_wait3A_151] : memref<80x128xi32, #tpu.memory_space<vmem>> -> memref<1x128xi32, #tpu.memory_space<vmem>>
      %dma_wait3A_153 = tpu.memref_squeeze %dma_wait3A_152 : memref<1x128xi32, #tpu.memory_space<vmem>> -> memref<128xi32, #tpu.memory_space<vmem>>
      %dma_wait3A_154 = arith.constant 0 : i32
      %dma_wait3A_155 = arith.constant 0 : i32
      %dma_wait3A_156 = tpu.memref_slice %arg2[%dma_wait3A_154, %dma_wait3A_155] : memref<10000x64xf32, #tpu.memory_space<hbm>> -> memref<10000x64xf32, #tpu.memory_space<hbm>>
      tpu.wait_indirect_dma semaphore(%arg14 : memref<!tpu.dma_semaphore, #tpu.memory_space<semaphore_mem>>) src(%dma_wait3A_156 : memref<10000x64xf32, #tpu.memory_space<hbm>>) dst(%arg9 : memref<128x64xf32, #tpu.memory_space<vmem>>)
      %add3A_157 = arith.constant 1 : i32
      %add3A_158 = arith.addi %mul3A_112, %add3A_157 : i32
      "tpu.region"() ({
        %run_scoped3A = tpu.sem_alloc : memref<!tpu.dma_semaphore, #tpu.memory_space<semaphore_mem>>
        %dma_start3A_205 = arith.constant 0 : i32
        %dma_start3A_206 = tpu.memref_slice %arg7[%add3A_158, %dma_start3A_205] : memref<80x128xi32, #tpu.memory_space<vmem>> -> memref<1x128xi32, #tpu.memory_space<vmem>>
        %dma_start3A_207 = tpu.memref_squeeze %dma_start3A_206 : memref<1x128xi32, #tpu.memory_space<vmem>> -> memref<128xi32, #tpu.memory_space<vmem>>
        %dma_start3A_208 = arith.constant 0 : i32
        %dma_start3A_209 = arith.constant 0 : i32
        %dma_start3A_210 = tpu.memref_slice %arg12[%dma_start3A_208, %dma_start3A_209] : memref<10112x64xf32, #tpu.memory_space<vmem_shared>> -> memref<10112x64xf32, #tpu.memory_space<vmem_shared>>
        tpu.enqueue_indirect_dma source(%arg9 : memref<128x64xf32, #tpu.memory_space<vmem>>) target(%dma_start3A_210 : memref<10112x64xf32, #tpu.memory_space<vmem_shared>>) offsets(%dma_start3A_207 : memref<128xi32, #tpu.memory_space<vmem>>) semaphore(%run_scoped3A : memref<!tpu.dma_semaphore, #tpu.memory_space<semaphore_mem>>) {add = true}
        %dma_wait3A_211 = arith.constant 0 : i32
        %dma_wait3A_212 = tpu.memref_slice %arg7[%add3A_158, %dma_wait3A_211] : memref<80x128xi32, #tpu.memory_space<vmem>> -> memref<1x128xi32, #tpu.memory_space<vmem>>
        %dma_wait3A_213 = tpu.memref_squeeze %dma_wait3A_212 : memref<1x128xi32, #tpu.memory_space<vmem>> -> memref<128xi32, #tpu.memory_space<vmem>>
        %dma_wait3A_214 = arith.constant 0 : i32
        %dma_wait3A_215 = arith.constant 0 : i32
        %dma_wait3A_216 = tpu.memref_slice %arg12[%dma_wait3A_214, %dma_wait3A_215] : memref<10112x64xf32, #tpu.memory_space<vmem_shared>> -> memref<10112x64xf32, #tpu.memory_space<vmem_shared>>
        tpu.wait_indirect_dma semaphore(%run_scoped3A : memref<!tpu.dma_semaphore, #tpu.memory_space<semaphore_mem>>) src(%arg9 : memref<128x64xf32, #tpu.memory_space<vmem>>) dst(%dma_wait3A_216 : memref<10112x64xf32, #tpu.memory_space<vmem_shared>>)
        tpu.yield
      }) : () -> ()
      %add3A_159 = arith.constant 4 : i32
      %add3A_160 = arith.addi %mul3A_112, %add3A_159 : i32
      %sub3A_161 = arith.constant 1 : i32
      %sub3A_162 = arith.subi %add3A_160, %sub3A_161 : i32
      %add3A_163 = arith.constant 2 : i32
      %add3A_164 = arith.addi %sub3A_162, %add3A_163 : i32
      %rem3A_165 = arith.remsi %add3A_164, %select_n3A_15 : i32
      %dma_start3A_166 = arith.constant 0 : i32
      %dma_start3A_167 = tpu.memref_slice %arg6[%rem3A_165, %dma_start3A_166] : memref<80x128xi32, #tpu.memory_space<vmem>> -> memref<1x128xi32, #tpu.memory_space<vmem>>
      %dma_start3A_168 = tpu.memref_squeeze %dma_start3A_167 : memref<1x128xi32, #tpu.memory_space<vmem>> -> memref<128xi32, #tpu.memory_space<vmem>>
      %dma_start3A_169 = arith.constant 0 : i32
      %dma_start3A_170 = arith.constant 0 : i32
      %dma_start3A_171 = tpu.memref_slice %arg2[%dma_start3A_169, %dma_start3A_170] : memref<10000x64xf32, #tpu.memory_space<hbm>> -> memref<10000x64xf32, #tpu.memory_space<hbm>>
      tpu.enqueue_indirect_dma source(%dma_start3A_171 : memref<10000x64xf32, #tpu.memory_space<hbm>>) target(%arg9 : memref<128x64xf32, #tpu.memory_space<vmem>>) offsets(%dma_start3A_168 : memref<128xi32, #tpu.memory_space<vmem>>) semaphore(%arg14 : memref<!tpu.dma_semaphore, #tpu.memory_space<semaphore_mem>>)
      %add3A_172 = arith.constant 2 : i32
      %add3A_173 = arith.addi %mul3A_112, %add3A_172 : i32
      %dma_wait3A_174 = arith.constant 0 : i32
      %dma_wait3A_175 = tpu.memref_slice %arg6[%add3A_173, %dma_wait3A_174] : memref<80x128xi32, #tpu.memory_space<vmem>> -> memref<1x128xi32, #tpu.memory_space<vmem>>
      %dma_wait3A_176 = tpu.memref_squeeze %dma_wait3A_175 : memref<1x128xi32, #tpu.memory_space<vmem>> -> memref<128xi32, #tpu.memory_space<vmem>>
      %dma_wait3A_177 = arith.constant 0 : i32
      %dma_wait3A_178 = arith.constant 0 : i32
      %dma_wait3A_179 = tpu.memref_slice %arg2[%dma_wait3A_177, %dma_wait3A_178] : memref<10000x64xf32, #tpu.memory_space<hbm>> -> memref<10000x64xf32, #tpu.memory_space<hbm>>
      tpu.wait_indirect_dma semaphore(%arg15 : memref<!tpu.dma_semaphore, #tpu.memory_space<semaphore_mem>>) src(%dma_wait3A_179 : memref<10000x64xf32, #tpu.memory_space<hbm>>) dst(%arg10 : memref<128x64xf32, #tpu.memory_space<vmem>>)
      %add3A_180 = arith.constant 2 : i32
      %add3A_181 = arith.addi %mul3A_112, %add3A_180 : i32
      "tpu.region"() ({
        %run_scoped3A = tpu.sem_alloc : memref<!tpu.dma_semaphore, #tpu.memory_space<semaphore_mem>>
        %dma_start3A_205 = arith.constant 0 : i32
        %dma_start3A_206 = tpu.memref_slice %arg7[%add3A_181, %dma_start3A_205] : memref<80x128xi32, #tpu.memory_space<vmem>> -> memref<1x128xi32, #tpu.memory_space<vmem>>
        %dma_start3A_207 = tpu.memref_squeeze %dma_start3A_206 : memref<1x128xi32, #tpu.memory_space<vmem>> -> memref<128xi32, #tpu.memory_space<vmem>>
        %dma_start3A_208 = arith.constant 0 : i32
        %dma_start3A_209 = arith.constant 0 : i32
        %dma_start3A_210 = tpu.memref_slice %arg12[%dma_start3A_208, %dma_start3A_209] : memref<10112x64xf32, #tpu.memory_space<vmem_shared>> -> memref<10112x64xf32, #tpu.memory_space<vmem_shared>>
        tpu.enqueue_indirect_dma source(%arg10 : memref<128x64xf32, #tpu.memory_space<vmem>>) target(%dma_start3A_210 : memref<10112x64xf32, #tpu.memory_space<vmem_shared>>) offsets(%dma_start3A_207 : memref<128xi32, #tpu.memory_space<vmem>>) semaphore(%run_scoped3A : memref<!tpu.dma_semaphore, #tpu.memory_space<semaphore_mem>>) {add = true}
        %dma_wait3A_211 = arith.constant 0 : i32
        %dma_wait3A_212 = tpu.memref_slice %arg7[%add3A_181, %dma_wait3A_211] : memref<80x128xi32, #tpu.memory_space<vmem>> -> memref<1x128xi32, #tpu.memory_space<vmem>>
        %dma_wait3A_213 = tpu.memref_squeeze %dma_wait3A_212 : memref<1x128xi32, #tpu.memory_space<vmem>> -> memref<128xi32, #tpu.memory_space<vmem>>
        %dma_wait3A_214 = arith.constant 0 : i32
        %dma_wait3A_215 = arith.constant 0 : i32
        %dma_wait3A_216 = tpu.memref_slice %arg12[%dma_wait3A_214, %dma_wait3A_215] : memref<10112x64xf32, #tpu.memory_space<vmem_shared>> -> memref<10112x64xf32, #tpu.memory_space<vmem_shared>>
        tpu.wait_indirect_dma semaphore(%run_scoped3A : memref<!tpu.dma_semaphore, #tpu.memory_space<semaphore_mem>>) src(%arg10 : memref<128x64xf32, #tpu.memory_space<vmem>>) dst(%dma_wait3A_216 : memref<10112x64xf32, #tpu.memory_space<vmem_shared>>)
        tpu.yield
      }) : () -> ()
      %add3A_182 = arith.constant 4 : i32
      %add3A_183 = arith.addi %mul3A_112, %add3A_182 : i32
      %sub3A_184 = arith.constant 1 : i32
      %sub3A_185 = arith.subi %add3A_183, %sub3A_184 : i32
      %add3A_186 = arith.constant 3 : i32
      %add3A_187 = arith.addi %sub3A_185, %add3A_186 : i32
      %rem3A_188 = arith.remsi %add3A_187, %select_n3A_15 : i32
      %dma_start3A_189 = arith.constant 0 : i32
      %dma_start3A_190 = tpu.memref_slice %arg6[%rem3A_188, %dma_start3A_189] : memref<80x128xi32, #tpu.memory_space<vmem>> -> memref<1x128xi32, #tpu.memory_space<vmem>>
      %dma_start3A_191 = tpu.memref_squeeze %dma_start3A_190 : memref<1x128xi32, #tpu.memory_space<vmem>> -> memref<128xi32, #tpu.memory_space<vmem>>
      %dma_start3A_192 = arith.constant 0 : i32
      %dma_start3A_193 = arith.constant 0 : i32
      %dma_start3A_194 = tpu.memref_slice %arg2[%dma_start3A_192, %dma_start3A_193] : memref<10000x64xf32, #tpu.memory_space<hbm>> -> memref<10000x64xf32, #tpu.memory_space<hbm>>
      tpu.enqueue_indirect_dma source(%dma_start3A_194 : memref<10000x64xf32, #tpu.memory_space<hbm>>) target(%arg10 : memref<128x64xf32, #tpu.memory_space<vmem>>) offsets(%dma_start3A_191 : memref<128xi32, #tpu.memory_space<vmem>>) semaphore(%arg15 : memref<!tpu.dma_semaphore, #tpu.memory_space<semaphore_mem>>)
      %add3A_195 = arith.constant 3 : i32
      %add3A_196 = arith.addi %mul3A_112, %add3A_195 : i32
      %dma_wait3A_197 = arith.constant 0 : i32
      %dma_wait3A_198 = tpu.memref_slice %arg6[%add3A_196, %dma_wait3A_197] : memref<80x128xi32, #tpu.memory_space<vmem>> -> memref<1x128xi32, #tpu.memory_space<vmem>>
      %dma_wait3A_199 = tpu.memref_squeeze %dma_wait3A_198 : memref<1x128xi32, #tpu.memory_space<vmem>> -> memref<128xi32, #tpu.memory_space<vmem>>
      %dma_wait3A_200 = arith.constant 0 : i32
      %dma_wait3A_201 = arith.constant 0 : i32
      %dma_wait3A_202 = tpu.memref_slice %arg2[%dma_wait3A_200, %dma_wait3A_201] : memref<10000x64xf32, #tpu.memory_space<hbm>> -> memref<10000x64xf32, #tpu.memory_space<hbm>>
      tpu.wait_indirect_dma semaphore(%arg16 : memref<!tpu.dma_semaphore, #tpu.memory_space<semaphore_mem>>) src(%dma_wait3A_202 : memref<10000x64xf32, #tpu.memory_space<hbm>>) dst(%arg11 : memref<128x64xf32, #tpu.memory_space<vmem>>)
      %add3A_203 = arith.constant 3 : i32
      %add3A_204 = arith.addi %mul3A_112, %add3A_203 : i32
      "tpu.region"() ({
        %run_scoped3A = tpu.sem_alloc : memref<!tpu.dma_semaphore, #tpu.memory_space<semaphore_mem>>
        %dma_start3A_205 = arith.constant 0 : i32
        %dma_start3A_206 = tpu.memref_slice %arg7[%add3A_204, %dma_start3A_205] : memref<80x128xi32, #tpu.memory_space<vmem>> -> memref<1x128xi32, #tpu.memory_space<vmem>>
        %dma_start3A_207 = tpu.memref_squeeze %dma_start3A_206 : memref<1x128xi32, #tpu.memory_space<vmem>> -> memref<128xi32, #tpu.memory_space<vmem>>
        %dma_start3A_208 = arith.constant 0 : i32
        %dma_start3A_209 = arith.constant 0 : i32
        %dma_start3A_210 = tpu.memref_slice %arg12[%dma_start3A_208, %dma_start3A_209] : memref<10112x64xf32, #tpu.memory_space<vmem_shared>> -> memref<10112x64xf32, #tpu.memory_space<vmem_shared>>
        tpu.enqueue_indirect_dma source(%arg11 : memref<128x64xf32, #tpu.memory_space<vmem>>) target(%dma_start3A_210 : memref<10112x64xf32, #tpu.memory_space<vmem_shared>>) offsets(%dma_start3A_207 : memref<128xi32, #tpu.memory_space<vmem>>) semaphore(%run_scoped3A : memref<!tpu.dma_semaphore, #tpu.memory_space<semaphore_mem>>) {add = true}
        %dma_wait3A_211 = arith.constant 0 : i32
        %dma_wait3A_212 = tpu.memref_slice %arg7[%add3A_204, %dma_wait3A_211] : memref<80x128xi32, #tpu.memory_space<vmem>> -> memref<1x128xi32, #tpu.memory_space<vmem>>
        %dma_wait3A_213 = tpu.memref_squeeze %dma_wait3A_212 : memref<1x128xi32, #tpu.memory_space<vmem>> -> memref<128xi32, #tpu.memory_space<vmem>>
        %dma_wait3A_214 = arith.constant 0 : i32
        %dma_wait3A_215 = arith.constant 0 : i32
        %dma_wait3A_216 = tpu.memref_slice %arg12[%dma_wait3A_214, %dma_wait3A_215] : memref<10112x64xf32, #tpu.memory_space<vmem_shared>> -> memref<10112x64xf32, #tpu.memory_space<vmem_shared>>
        tpu.wait_indirect_dma semaphore(%run_scoped3A : memref<!tpu.dma_semaphore, #tpu.memory_space<semaphore_mem>>) src(%arg11 : memref<128x64xf32, #tpu.memory_space<vmem>>) dst(%dma_wait3A_216 : memref<10112x64xf32, #tpu.memory_space<vmem_shared>>)
        tpu.yield
      }) : () -> ()
    }
    %dma_wait3A = arith.constant 0 : i32
    %dma_wait3A_83 = arith.constant 0 : i32
    %dma_wait3A_84 = tpu.memref_slice %arg6[%dma_wait3A, %dma_wait3A_83] : memref<80x128xi32, #tpu.memory_space<vmem>> -> memref<1x128xi32, #tpu.memory_space<vmem>>
    %dma_wait3A_85 = tpu.memref_squeeze %dma_wait3A_84 : memref<1x128xi32, #tpu.memory_space<vmem>> -> memref<128xi32, #tpu.memory_space<vmem>>
    %dma_wait3A_86 = arith.constant 0 : i32
    %dma_wait3A_87 = arith.constant 0 : i32
    %dma_wait3A_88 = tpu.memref_slice %arg2[%dma_wait3A_86, %dma_wait3A_87] : memref<10000x64xf32, #tpu.memory_space<hbm>> -> memref<10000x64xf32, #tpu.memory_space<hbm>>
    tpu.wait_indirect_dma semaphore(%arg13 : memref<!tpu.dma_semaphore, #tpu.memory_space<semaphore_mem>>) src(%dma_wait3A_88 : memref<10000x64xf32, #tpu.memory_space<hbm>>) dst(%arg8 : memref<128x64xf32, #tpu.memory_space<vmem>>)
    %dma_wait3A_89 = arith.constant 1 : i32
    %dma_wait3A_90 = arith.constant 0 : i32
    %dma_wait3A_91 = tpu.memref_slice %arg6[%dma_wait3A_89, %dma_wait3A_90] : memref<80x128xi32, #tpu.memory_space<vmem>> -> memref<1x128xi32, #tpu.memory_space<vmem>>
    %dma_wait3A_92 = tpu.memref_squeeze %dma_wait3A_91 : memref<1x128xi32, #tpu.memory_space<vmem>> -> memref<128xi32, #tpu.memory_space<vmem>>
    %dma_wait3A_93 = arith.constant 0 : i32
    %dma_wait3A_94 = arith.constant 0 : i32
    %dma_wait3A_95 = tpu.memref_slice %arg2[%dma_wait3A_93, %dma_wait3A_94] : memref<10000x64xf32, #tpu.memory_space<hbm>> -> memref<10000x64xf32, #tpu.memory_space<hbm>>
    tpu.wait_indirect_dma semaphore(%arg14 : memref<!tpu.dma_semaphore, #tpu.memory_space<semaphore_mem>>) src(%dma_wait3A_95 : memref<10000x64xf32, #tpu.memory_space<hbm>>) dst(%arg9 : memref<128x64xf32, #tpu.memory_space<vmem>>)
    %dma_wait3A_96 = arith.constant 2 : i32
    %dma_wait3A_97 = arith.constant 0 : i32
    %dma_wait3A_98 = tpu.memref_slice %arg6[%dma_wait3A_96, %dma_wait3A_97] : memref<80x128xi32, #tpu.memory_space<vmem>> -> memref<1x128xi32, #tpu.memory_space<vmem>>
    %dma_wait3A_99 = tpu.memref_squeeze %dma_wait3A_98 : memref<1x128xi32, #tpu.memory_space<vmem>> -> memref<128xi32, #tpu.memory_space<vmem>>
    %dma_wait3A_100 = arith.constant 0 : i32
    %dma_wait3A_101 = arith.constant 0 : i32
    %dma_wait3A_102 = tpu.memref_slice %arg2[%dma_wait3A_100, %dma_wait3A_101] : memref<10000x64xf32, #tpu.memory_space<hbm>> -> memref<10000x64xf32, #tpu.memory_space<hbm>>
    tpu.wait_indirect_dma semaphore(%arg15 : memref<!tpu.dma_semaphore, #tpu.memory_space<semaphore_mem>>) src(%dma_wait3A_102 : memref<10000x64xf32, #tpu.memory_space<hbm>>) dst(%arg10 : memref<128x64xf32, #tpu.memory_space<vmem>>)
    %barrier3A_103 = arith.constant 0 : index
    tpu.barrier barrier_id(%barrier3A_103)
    %mul3A_104 = arith.constant 632 : i32
    %mul3A_105 = arith.muli %arg1, %mul3A_104 : i32
    %mul3A_106 = arith.constant 632 : i32
    %mul3A_107 = arith.muli %arg1, %mul3A_106 : i32
    %mul3A_108 = arith.constant 64 : i32
    %mul3A_109 = arith.muli %arg0, %mul3A_108 : i32
    "tpu.region"() ({
      %run_scoped3A = tpu.sem_alloc : memref<!tpu.dma_semaphore, #tpu.memory_space<semaphore_mem>>
      %dma_start3A_110 = tpu.memref_slice %arg5[%mul3A_107, %mul3A_109] : memref<10112x128xf32, #tpu.memory_space<hbm>> -> memref<632x64xf32, #tpu.memory_space<hbm>>
      %dma_start3A_111 = arith.constant 0 : i32
      %dma_start3A_112 = tpu.memref_slice %arg12[%mul3A_105, %dma_start3A_111] : memref<10112x64xf32, #tpu.memory_space<vmem_shared>> -> memref<632x64xf32, #tpu.memory_space<vmem_shared>>
      tpu.enqueue_dma source(%dma_start3A_112 : memref<632x64xf32, #tpu.memory_space<vmem_shared>>) target(%dma_start3A_110 : memref<632x64xf32, #tpu.memory_space<hbm>>) target_semaphore(%run_scoped3A : memref<!tpu.dma_semaphore, #tpu.memory_space<semaphore_mem>>)
      %dma_wait3A_113 = tpu.memref_slice %arg5[%mul3A_107, %mul3A_109] : memref<10112x128xf32, #tpu.memory_space<hbm>> -> memref<632x64xf32, #tpu.memory_space<hbm>>
      %dma_wait3A_114 = arith.constant 0 : i32
      %dma_wait3A_115 = tpu.memref_slice %arg12[%mul3A_105, %dma_wait3A_114] : memref<10112x64xf32, #tpu.memory_space<vmem_shared>> -> memref<632x64xf32, #tpu.memory_space<vmem_shared>>
      tpu.wait_dma2 semaphore(%run_scoped3A : memref<!tpu.dma_semaphore, #tpu.memory_space<semaphore_mem>>) src(%dma_wait3A_115 : memref<632x64xf32, #tpu.memory_space<vmem_shared>>) dst(%dma_wait3A_113 : memref<632x64xf32, #tpu.memory_space<hbm>>)
      tpu.yield
    }) : () -> ()
    return
  }
}

module attributes {stable_mosaic.version = 14 : i64} {
  func.func @body(%arg0: i32, %arg1: memref<2000x128xf32, #tpu.memory_space<vmem>>, %arg2: memref<128x64xf32, #tpu.memory_space<vmem>>, %arg3: memref<2000x64xf32, #tpu.memory_space<vmem>>) attributes {dimension_semantics = [#tpu.dimension_semantics<arbitrary>], iteration_bounds = array<i64: 5>, scalar_prefetch = 0 : i64, scratch_operands = 0 : i64, tpu.core_type = #tpu.core_type<tc>, window_params = [{transform_indices = @transform_0, window_bounds = array<i64: 2000, 128>}, {pipeline_mode = #tpu.pipeline_mode<synchronous>, transform_indices = @transform_1, window_bounds = array<i64: 128, 64>}, {transform_indices = @transform_2, window_bounds = array<i64: 2000, 64>}]} {
    %get3A = arith.constant 0 : index
    %get3A_0 = arith.constant 0 : index
    %get3A_1 = vector.load %arg1[%get3A, %get3A_0] : memref<2000x128xf32, #tpu.memory_space<vmem>>, vector<2000x128xf32>
    %get3A_2 = arith.constant 0 : index
    %get3A_3 = arith.constant 0 : index
    %get3A_4 = vector.load %arg2[%get3A_2, %get3A_3] : memref<128x64xf32, #tpu.memory_space<vmem>>, vector<128x64xf32>
    %dot_general3A = arith.constant dense<0.000000e+00> : vector<2000x64xf32>
    %dot_general3A_5 = tpu.matmul %get3A_1, %get3A_4, %dot_general3A {dimension_numbers = #tpu.dot_dimension_numbers<[1], [0], [0], [1], [0, 0, 1, 1], [], []>, transpose_lhs_hint = false} : vector<2000x128xf32>, vector<128x64xf32>, vector<2000x64xf32> -> vector<2000x64xf32>
    %swap3A = arith.constant 0 : index
    %swap3A_6 = arith.constant 0 : index
    %swap3A_7 = vector.load %arg3[%swap3A, %swap3A_6] : memref<2000x64xf32, #tpu.memory_space<vmem>>, vector<2000x64xf32>
    tpu.vector_store %arg3[%swap3A, %swap3A_6], %dot_general3A_5 {strides = array<i32>} : memref<2000x64xf32, #tpu.memory_space<vmem>>, vector<2000x64xf32>,
    return
  }
  func.func @transform_0(%arg0: i32) -> (i32, i32) {
    %c0_i32 = arith.constant 0 : i32
    %c0_i32_0 = arith.constant 0 : i32
    return %arg0, %c0_i32 : i32, i32
  }
  func.func @transform_1(%arg0: i32) -> (i32, i32) {
    %c0_i32 = arith.constant 0 : i32
    %c0_i32_0 = arith.constant 0 : i32
    %c0_i32_1 = arith.constant 0 : i32
    return %c0_i32, %c0_i32_0 : i32, i32
  }
  func.func @transform_2(%arg0: i32) -> (i32, i32) {
    %c0_i32 = arith.constant 0 : i32
    %c0_i32_0 = arith.constant 0 : i32
    return %arg0, %c0_i32 : i32, i32
  }
}

module attributes {stable_mosaic.version = 14 : i64} {
  func.func @body(%arg0: i32, %arg1: memref<2000x64xf32, #tpu.memory_space<vmem>>, %arg2: memref<2000x128xf32, #tpu.memory_space<vmem>>, %arg3: memref<1x64xf32, #tpu.memory_space<vmem>>, %arg4: memref<1x64xf32, #tpu.memory_space<vmem>>, %arg5: memref<64x16xf32, #tpu.memory_space<vmem>>, %arg6: memref<1x16xf32, #tpu.memory_space<vmem>>, %arg7: memref<2000x16xf32, #tpu.memory_space<vmem>>, %arg8: memref<16x64xf32, #tpu.memory_space<vmem>>, %arg9: memref<16x64xf32, #tpu.memory_space<vmem>>) attributes {dimension_semantics = [#tpu.dimension_semantics<arbitrary>], iteration_bounds = array<i64: 5>, scalar_prefetch = 0 : i64, scratch_operands = 1 : i64, tpu.core_type = #tpu.core_type<tc>, window_params = [{transform_indices = @transform_0, window_bounds = array<i64: 2000, 64>}, {transform_indices = @transform_1, window_bounds = array<i64: 2000, 128>}, {pipeline_mode = #tpu.pipeline_mode<synchronous>, transform_indices = @transform_2, window_bounds = array<i64: 1, 64>}, {pipeline_mode = #tpu.pipeline_mode<synchronous>, transform_indices = @transform_3, window_bounds = array<i64: 1, 64>}, {pipeline_mode = #tpu.pipeline_mode<synchronous>, transform_indices = @transform_4, window_bounds = array<i64: 64, 16>}, {pipeline_mode = #tpu.pipeline_mode<synchronous>, transform_indices = @transform_5, window_bounds = array<i64: 1, 16>}, {transform_indices = @transform_6, window_bounds = array<i64: 2000, 16>}, {pipeline_mode = #tpu.pipeline_mode<synchronous>, transform_indices = @transform_7, window_bounds = array<i64: 16, 64>}]} {
    %get3A = arith.constant 0 : index
    %get3A_0 = arith.constant 0 : index
    %get3A_1 = vector.load %arg2[%get3A, %get3A_0] : memref<2000x128xf32, #tpu.memory_space<vmem>>, vector<2000x64xf32>
    %get3A_2 = arith.constant 0 : index
    %get3A_3 = arith.constant 64 : index
    %get3A_4 = vector.load %arg2[%get3A_2, %get3A_3] : memref<2000x128xf32, #tpu.memory_space<vmem>>, vector<2000x64xf32>
    %add3A = arith.addf %get3A_1, %get3A_4 : vector<2000x64xf32>
    %get3A_5 = arith.constant 0 : index
    %get3A_6 = arith.constant 0 : index
    %get3A_7 = vector.load %arg3[%get3A_5, %get3A_6] : memref<1x64xf32, #tpu.memory_space<vmem>>, vector<1x64xf32>
    %get3A_8 = arith.constant 0 : index
    %get3A_9 = arith.constant 0 : index
    %get3A_10 = vector.load %arg1[%get3A_8, %get3A_9] : memref<2000x64xf32, #tpu.memory_space<vmem>>, vector<2000x64xf32>
    %mul3A = vector.broadcast %get3A_7 : vector<1x64xf32> to vector<2000x64xf32>
    %mul3A_11 = arith.mulf %mul3A, %get3A_10 : vector<2000x64xf32>
    %add3A_12 = arith.addf %mul3A_11, %add3A : vector<2000x64xf32>
    %get3A_13 = arith.constant 0 : index
    %get3A_14 = arith.constant 0 : index
    %get3A_15 = vector.load %arg4[%get3A_13, %get3A_14] : memref<1x64xf32, #tpu.memory_space<vmem>>, vector<1x64xf32>
    %add3A_16 = vector.broadcast %get3A_15 : vector<1x64xf32> to vector<2000x64xf32>
    %add3A_17 = arith.addf %add3A_12, %add3A_16 : vector<2000x64xf32>
    %gt3A = arith.constant 0.000000e+00 : f32
    %gt3A_18 = vector.broadcast %gt3A : f32 to vector<2000x64xf32>
    %gt3A_19 = arith.cmpf ogt, %add3A_17, %gt3A_18 : vector<2000x64xf32>
    %exp3A = math.exp %add3A_17 : vector<2000x64xf32>
    %sub3A = arith.constant 1.000000e+00 : f32
    %sub3A_20 = vector.broadcast %sub3A : f32 to vector<2000x64xf32>
    %sub3A_21 = arith.subf %exp3A, %sub3A_20 : vector<2000x64xf32>
    %mul3A_22 = arith.constant 1.67326319 : f32
    %mul3A_23 = vector.broadcast %mul3A_22 : f32 to vector<2000x64xf32>
    %mul3A_24 = arith.mulf %mul3A_23, %sub3A_21 : vector<2000x64xf32>
    %select_n3A = arith.select %gt3A_19, %add3A_17, %mul3A_24 : vector<2000x64xi1>, vector<2000x64xf32>
    %mul3A_25 = arith.constant 1.05070102 : f32
    %mul3A_26 = vector.broadcast %mul3A_25 : f32 to vector<2000x64xf32>
    %mul3A_27 = arith.mulf %mul3A_26, %select_n3A : vector<2000x64xf32>
    %get3A_28 = arith.constant 0 : index
    %get3A_29 = arith.constant 0 : index
    %get3A_30 = vector.load %arg5[%get3A_28, %get3A_29] : memref<64x16xf32, #tpu.memory_space<vmem>>, vector<64x16xf32>
    %dot_general3A = arith.constant dense<0.000000e+00> : vector<2000x16xf32>
    %dot_general3A_31 = tpu.matmul %mul3A_27, %get3A_30, %dot_general3A {dimension_numbers = #tpu.dot_dimension_numbers<[1], [0], [0], [1], [0, 0, 1, 1], [], []>, transpose_lhs_hint = false} : vector<2000x64xf32>, vector<64x16xf32>, vector<2000x16xf32> -> vector<2000x16xf32>
    %get3A_32 = arith.constant 0 : index
    %get3A_33 = arith.constant 0 : index
    %get3A_34 = vector.load %arg6[%get3A_32, %get3A_33] : memref<1x16xf32, #tpu.memory_space<vmem>>, vector<1x16xf32>
    %add3A_35 = vector.broadcast %get3A_34 : vector<1x16xf32> to vector<2000x16xf32>
    %add3A_36 = arith.addf %dot_general3A_31, %add3A_35 : vector<2000x16xf32>
    %reduce_max3A = arith.constant dense<0xFF800000> : vector<2000xf32>
    %reduce_max3A_37 = vector.multi_reduction <maximumf>, %add3A_36, %reduce_max3A [1] : vector<2000x16xf32> to vector<2000xf32>
    %broadcast_in_dim3A = vector.shape_cast %reduce_max3A_37 : vector<2000xf32> to vector<2000x1xf32>
    %sub3A_38 = vector.broadcast %broadcast_in_dim3A : vector<2000x1xf32> to vector<2000x16xf32>
    %sub3A_39 = arith.subf %add3A_36, %sub3A_38 : vector<2000x16xf32>
    %exp3A_40 = math.exp %sub3A_39 : vector<2000x16xf32>
    %reduce_sum3A = arith.constant dense<0.000000e+00> : vector<2000xf32>
    %reduce_sum3A_41 = vector.multi_reduction <add>, %exp3A_40, %reduce_sum3A [1] : vector<2000x16xf32> to vector<2000xf32>
    %broadcast_in_dim3A_42 = vector.shape_cast %reduce_sum3A_41 : vector<2000xf32> to vector<2000x1xf32>
    %div3A = vector.broadcast %broadcast_in_dim3A_42 : vector<2000x1xf32> to vector<2000x16xf32>
    %div3A_43 = arith.divf %exp3A_40, %div3A : vector<2000x16xf32>
    %swap3A = arith.constant 0 : index
    %swap3A_44 = arith.constant 0 : index
    %swap3A_45 = vector.load %arg7[%swap3A, %swap3A_44] : memref<2000x16xf32, #tpu.memory_space<vmem>>, vector<2000x16xf32>
    tpu.vector_store %arg7[%swap3A, %swap3A_44], %div3A_43 {strides = array<i32>} : memref<2000x16xf32, #tpu.memory_space<vmem>>, vector<2000x16xf32>,
    %eq3A = arith.constant 0 : i32
    %eq3A_46 = arith.cmpi eq, %arg0, %eq3A : i32
    %convert_element_type3A = arith.extui %eq3A_46 : i1 to i32
    %cond3A = arith.constant 0 : i32
    %cond3A_47 = arith.cmpi ne, %convert_element_type3A, %cond3A : i32
    scf.if %cond3A_47 {
      %broadcast_in_dim3A_62 = arith.constant 0.000000e+00 : f32
      %broadcast_in_dim3A_63 = vector.broadcast %broadcast_in_dim3A_62 : f32 to vector<16x64xf32>
      %swap3A_64 = arith.constant 0 : index
      %swap3A_65 = arith.constant 0 : index
      %swap3A_66 = vector.load %arg9[%swap3A_64, %swap3A_65] : memref<16x64xf32, #tpu.memory_space<vmem>>, vector<16x64xf32>
      tpu.vector_store %arg9[%swap3A_64, %swap3A_65], %broadcast_in_dim3A_63 {strides = array<i32>} : memref<16x64xf32, #tpu.memory_space<vmem>>, vector<16x64xf32>,
    } else {
    }
    %get3A_48 = arith.constant 0 : index
    %get3A_49 = arith.constant 0 : index
    %get3A_50 = vector.load %arg9[%get3A_48, %get3A_49] : memref<16x64xf32, #tpu.memory_space<vmem>>, vector<16x64xf32>
    %dot_general3A_51 = arith.constant dense<0.000000e+00> : vector<16x64xf32>
    %dot_general3A_52 = tpu.matmul %div3A_43, %mul3A_27, %dot_general3A_51 {dimension_numbers = #tpu.dot_dimension_numbers<[0], [0], [1], [1], [0, 1, 1, 1], [], []>, transpose_lhs_hint = false} : vector<2000x16xf32>, vector<2000x64xf32>, vector<16x64xf32> -> vector<16x64xf32>
    %add3A_53 = arith.addf %get3A_50, %dot_general3A_52 : vector<16x64xf32>
    %swap3A_54 = arith.constant 0 : index
    %swap3A_55 = arith.constant 0 : index
    %swap3A_56 = vector.load %arg9[%swap3A_54, %swap3A_55] : memref<16x64xf32, #tpu.memory_space<vmem>>, vector<16x64xf32>
    tpu.vector_store %arg9[%swap3A_54, %swap3A_55], %add3A_53 {strides = array<i32>} : memref<16x64xf32, #tpu.memory_space<vmem>>, vector<16x64xf32>,
    %eq3A_57 = arith.constant 4 : i32
    %eq3A_58 = arith.cmpi eq, %arg0, %eq3A_57 : i32
    %convert_element_type3A_59 = arith.extui %eq3A_58 : i1 to i32
    %cond3A_60 = arith.constant 0 : i32
    %cond3A_61 = arith.cmpi ne, %convert_element_type3A_59, %cond3A_60 : i32
    scf.if %cond3A_61 {
      %get3A_62 = arith.constant 0 : index
      %get3A_63 = arith.constant 0 : index
      %get3A_64 = vector.load %arg9[%get3A_62, %get3A_63] : memref<16x64xf32, #tpu.memory_space<vmem>>, vector<16x64xf32>
      %gt3A_65 = arith.constant 0.000000e+00 : f32
      %gt3A_66 = vector.broadcast %gt3A_65 : f32 to vector<16x64xf32>
      %gt3A_67 = arith.cmpf ogt, %get3A_64, %gt3A_66 : vector<16x64xf32>
      %exp3A_68 = math.exp %get3A_64 : vector<16x64xf32>
      %sub3A_69 = arith.constant 1.000000e+00 : f32
      %sub3A_70 = vector.broadcast %sub3A_69 : f32 to vector<16x64xf32>
      %sub3A_71 = arith.subf %exp3A_68, %sub3A_70 : vector<16x64xf32>
      %mul3A_72 = arith.constant 1.67326319 : f32
      %mul3A_73 = vector.broadcast %mul3A_72 : f32 to vector<16x64xf32>
      %mul3A_74 = arith.mulf %mul3A_73, %sub3A_71 : vector<16x64xf32>
      %select_n3A_75 = arith.select %gt3A_67, %get3A_64, %mul3A_74 : vector<16x64xi1>, vector<16x64xf32>
      %mul3A_76 = arith.constant 1.05070102 : f32
      %mul3A_77 = vector.broadcast %mul3A_76 : f32 to vector<16x64xf32>
      %mul3A_78 = arith.mulf %mul3A_77, %select_n3A_75 : vector<16x64xf32>
      %swap3A_79 = arith.constant 0 : index
      %swap3A_80 = arith.constant 0 : index
      %swap3A_81 = vector.load %arg8[%swap3A_79, %swap3A_80] : memref<16x64xf32, #tpu.memory_space<vmem>>, vector<16x64xf32>
      tpu.vector_store %arg8[%swap3A_79, %swap3A_80], %mul3A_78 {strides = array<i32>} : memref<16x64xf32, #tpu.memory_space<vmem>>, vector<16x64xf32>,
    } else {
    }
    return
  }
  func.func @transform_0(%arg0: i32) -> (i32, i32) {
    %c0_i32 = arith.constant 0 : i32
    %c0_i32_0 = arith.constant 0 : i32
    return %arg0, %c0_i32 : i32, i32
  }
  func.func @transform_1(%arg0: i32) -> (i32, i32) {
    %c0_i32 = arith.constant 0 : i32
    %c0_i32_0 = arith.constant 0 : i32
    return %arg0, %c0_i32 : i32, i32
  }
  func.func @transform_2(%arg0: i32) -> (i32, i32) {
    %c0_i32 = arith.constant 0 : i32
    %c0_i32_0 = arith.constant 0 : i32
    %c0_i32_1 = arith.constant 0 : i32
    return %c0_i32, %c0_i32_0 : i32, i32
  }
  func.func @transform_3(%arg0: i32) -> (i32, i32) {
    %c0_i32 = arith.constant 0 : i32
    %c0_i32_0 = arith.constant 0 : i32
    %c0_i32_1 = arith.constant 0 : i32
    return %c0_i32, %c0_i32_0 : i32, i32
  }
  func.func @transform_4(%arg0: i32) -> (i32, i32) {
    %c0_i32 = arith.constant 0 : i32
    %c0_i32_0 = arith.constant 0 : i32
    %c0_i32_1 = arith.constant 0 : i32
    return %c0_i32, %c0_i32_0 : i32, i32
  }
  func.func @transform_5(%arg0: i32) -> (i32, i32) {
    %c0_i32 = arith.constant 0 : i32
    %c0_i32_0 = arith.constant 0 : i32
    %c0_i32_1 = arith.constant 0 : i32
    return %c0_i32, %c0_i32_0 : i32, i32
  }
  func.func @transform_6(%arg0: i32) -> (i32, i32) {
    %c0_i32 = arith.constant 0 : i32
    %c0_i32_0 = arith.constant 0 : i32
    return %arg0, %c0_i32 : i32, i32
  }
  func.func @transform_7(%arg0: i32) -> (i32, i32) {
    %c0_i32 = arith.constant 0 : i32
    %c0_i32_0 = arith.constant 0 : i32
    %c0_i32_1 = arith.constant 0 : i32
    return %c0_i32, %c0_i32_0 : i32, i32
  }
}

</mosaic_0001>

<sc_bundles>
// kernel: kernel.5.cloned.1.call-start
scs
__scs_entry_jumppad:
0x0: {  	(pc) =	sbr.rel $0x88, $3  }
0x1: {  	(tag) =	ssettag $0x0;
	lr =	simm.s32 $0x1  }
0x2: {  	[smem:$0x3F9A] =	sst lr;
	_ =	strace $0xD0000000  }
0x3: {  	_ = 	snop  }
0x4: {  	_ = 	snop  }
0x5: {  	_ = 	snop  }
0x6: {  	_ = 	snop  }
0x7: {  	_ = 	snop  }
__scs_overlays_trampoline_lowered:
0x8: {  	[smem:$0x3FA9] =	sst s0  }
0x9: {  	[smem:$0x3FAA] =	sst s1  }
0xa: {  	[smem:$0x3FAB] =	sst s2  }
0xb: {  	[smem:$0x3FAC] =	sst s3  }
0xc: {  	[smem:$0x3FAD] =	sst s4  }
0xd: {  	[smem:$0x3FAE] =	sst s5  }
0xe: {  	[smem:$0x3FAF] =	sst s6  }
0xf: {  	[smem:$0x3FB0] =	sst s7  }
0x10: {  	[smem:$0x3FB1] =	sst s8  }
0x11: {  	[smem:$0x3FB2] =	sst s9;
	s0 =	simm.s32 @!p0 $0x0  }
0x12: {  	s1 =	sld [smem:$0x3F98];
	s0 =	simm.s32 @p0 $0x1  }
0x13: {  	[smem:$0x3FB3] =	sst s0;
	s0 =	simm.s32 @!p1 $0x0  }
0x14: {  	s2 =	sld [smem:$0x3F97];
	s0 =	simm.s32 @p1 $0x1  }
0x15: {  	[smem:$0x3FB4] =	sst s0;
	s0 =	simm.s32 @!p2 $0x0  }
0x16: {  	s3 =	sld [smem:$0x3FDB];
	s0 =	simm.s32 @p2 $0x1  }
0x17: {  	s4 =	simm.s32 $0x1BF5;
	[smem:$0x3FB6] =	sst s0  }
0x18: {  	s0 =	sld [smem:$0x3F99];
	_ =	swait.ge [sflag:s4], $0x0  }
0x19: {  	s7 =	sld [smem:$0x3F9A]  }
0x1a: {  	s8 =	sadd.s32 $0xFFFFE003, lr  }
0x1b: {  	s9 =	sadd.s32 $0xFFFFFEF7, lr;
	s5 =	simm.s32 $0xFFFFFFFF;
	p2 =	slt.u32 s8, $0xFFFFF086  }
0x1c: {  	p1 =	slt.u32 s9, $0xF7A;
	s5 =	simm.s32 @!p2 $0x0  }
0x1d: {  	s5 =	simm.s32 @p1 $0x1;
	p0 =	seq.s32 s7, s2  }
0x1e: {  	s7 =	smul.u32 @!p0 $0xF7A, s2;
	p2 =	seq.s32 @!p0 s5, $0x0  }
0x1f: {  	s9 =	smul.u32 $0xF7A, s1;
	s8 =	simm.s32 @!p0 $0x1BF5;
	p2 =	por !p2, p0  }
0x20: {  	[sflag:s8] =	ssyncset.s32 @!p0 $0xFFFFF086;
	s6 =	sadd.s32 @!p0 s3, s7;
	s7 =	simm.s32 @!p0 $0x108  }
0x21: {  	s3 =	sadd.s32 s3, s9;
	s6 =	sadd.s32 @!p0 $0x88, s6;
	s7 =	simm.s32 @p2 $0x1082  }
0x22: {  	[simem:s7], [sflag:s8] =	dma.local @!p0 [hbm:s6], $0xF7A  }
0x23: {  	s9 =	sor.u32 $0xD0000000, s2;
	s6 =	simm.s32 $0x108;
	_ =	swait.ge @!p0 [sflag:s8], $0x0  }
0x24: {  	s3 =	sadd.s32 $0x88, s3;
	s6 =	simm.s32 @!p1 $0x1082;
	[sflag:s4] =	ssyncset.s32 $0xFFFFF086  }
0x25: {  	[simem:s6], [sflag:s4] =	dma.local [hbm:s3], $0xF7A  }
0x26: {  	[smem:$0x3F9A] =	sst s1;
	(tag) =	ssettag s2;
	_ =	strace s9  }
0x27: {  	s1 =	sld [smem:$0x3FAA]  }
0x28: {  	s2 =	sld [smem:$0x3FAB]  }
0x29: {  	s4 =	sld [smem:$0x3FAD]  }
0x2a: {  	p0 =	seq.s32 s5, $0x0;
	s5 =	sld [smem:$0x3FAE]  }
0x2b: {  	s6 =	sld [smem:$0x3FAF]  }
0x2c: {  	s7 =	sld [smem:$0x3FB0]  }
0x2d: {  	s3 =	simm.s32 $0x108;
	s8 =	sld [smem:$0x3FB1]  }
0x2e: {  	s3 =	simm.s32 @!p0 $0x1082;
	s9 =	sld [smem:$0x3FB2]  }
0x2f: {  	lr =	sadd.s32 s0, s3;
	s0 =	sld [smem:$0x3FA9]  }
0x30: {  	s3 =	sld [smem:$0x3FAC]  }
0x31: {  	[smem:$0x3FB5] =	sst s10  }
0x32: {  	s10 =	sld [smem:$0x3FB3];
	_ =	sdelay $0x3  }
0x33: {  	p0 =	seq.s32 s10, $0x1;
	s10 =	sld [smem:$0x3FB5];
	_ =	sdelay $0x3  }
0x34: {  	[smem:$0x3FB5] =	sst s10  }
0x35: {  	s10 =	sld [smem:$0x3FB4];
	_ =	sdelay $0x3  }
0x36: {  	p1 =	seq.s32 s10, $0x1;
	s10 =	sld [smem:$0x3FB5];
	_ =	sdelay $0x3  }
0x37: {  	[smem:$0x3FB5] =	sst s10  }
0x38: {  	s10 =	sld [smem:$0x3FB6]  }
0x39: {  	_ = 	snop;
	(pc) =	sbr.ind lr, $3  }
0x3a: {  	_ = 	snop  }
0x3b: {  	_ = 	snop  }
0x3c: {  	p2 =	seq.s32 s10, $0x1;
	s10 =	sld [smem:$0x3FB5]  }
0x3d: {  	_ =	shalt  }
0x3e: {  	_ =	shalt  }
0x3f: {  	_ =	shalt  }
0x40: {  	_ =	shalt  }
0x41: {  	_ =	shalt  }
0x42: {  	_ =	shalt  }
0x43: {  	_ =	shalt  }
0x44: {  	_ =	shalt  }
0x45: {  	_ =	shalt  }
0x46: {  	_ =	shalt  }
0x47: {  	_ =	shalt  }
0x48: {  	_ =	shalt  }
0x49: {  	_ =	shalt  }
0x4a: {  	_ =	shalt  }
0x4b: {  	_ =	shalt  }
0x4c: {  	_ =	shalt  }
0x4d: {  	_ =	shalt  }
0x4e: {  	_ =	shalt  }
0x4f: {  	_ =	shalt  }
0x50: {  	_ =	shalt  }
0x51: {  	_ =	shalt  }
0x52: {  	_ =	shalt  }
0x53: {  	_ =	shalt  }
0x54: {  	_ =	shalt  }
0x55: {  	_ =	shalt  }
0x56: {  	_ =	shalt  }
0x57: {  	_ =	shalt  }
0x58: {  	_ =	shalt  }
0x59: {  	_ =	shalt  }
0x5a: {  	_ =	shalt  }
0x5b: {  	_ =	shalt  }
0x5c: {  	_ =	shalt  }
0x5d: {  	_ =	shalt  }
0x5e: {  	_ =	shalt  }
0x5f: {  	_ =	shalt  }
0x60: {  	_ =	shalt  }
0x61: {  	_ =	shalt  }
0x62: {  	_ =	shalt  }
0x63: {  	_ =	shalt  }
0x64: {  	_ =	shalt  }
0x65: {  	_ =	shalt  }
0x66: {  	_ =	shalt  }
0x67: {  	_ =	shalt  }
0x68: {  	_ =	shalt  }
0x69: {  	_ =	shalt  }
0x6a: {  	_ =	shalt  }
0x6b: {  	_ =	shalt  }
0x6c: {  	_ =	shalt  }
0x6d: {  	_ =	shalt  }
0x6e: {  	_ =	shalt  }
0x6f: {  	_ =	shalt  }
0x70: {  	_ =	shalt  }
0x71: {  	_ =	shalt  }
0x72: {  	_ =	shalt  }
0x73: {  	_ =	shalt  }
0x74: {  	_ =	shalt  }
0x75: {  	_ =	shalt  }
0x76: {  	_ =	shalt  }
0x77: {  	_ =	shalt  }
0x78: {  	_ =	shalt  }
0x79: {  	_ =	shalt  }
0x7a: {  	_ =	shalt  }
0x7b: {  	_ =	shalt  }
0x7c: {  	_ =	shalt  }
0x7d: {  	_ =	shalt  }
0x7e: {  	_ =	shalt  }
0x7f: {  	_ =	shalt  }
0x80: {  	_ =	shalt  }
0x81: {  	_ =	shalt  }
0x82: {  	_ =	shalt  }
0x83: {  	_ =	shalt  }
0x84: {  	_ =	shalt  }
0x85: {  	_ =	shalt  }
0x86: {  	_ =	shalt  }
0x87: {  	_ =	shalt  }
.Lfunc_end0:
.L_simem_size_0:
called_computation_lowered:
.L_overlay_start_0:
0x88: {  	s2 =	sld [smem:$0x3FD9]  }
0x89: {  	s3 =	sld [smem:$0x3FFE];
	_ =	sdelay $0x1  }
0x8a: {  	s1 =	srdreg.scid  }
0x8b: {  	s0 =	sand.u32 $0x1, s1  }
0x8c: {  	s14 =	sshll.u32 s0, $0xA;
	s2 =	sadd.s32 s3, s2  }
0x8d: {  	s2 =	sadd.s32 s2, s14  }
0x8e: {  	[smem:$0x3FC1] =	sst s2  }
0x8f: {  	_ = 	snop  }
0x90: {  	s2 =	sld [smem:$0x3FD0];
	_ =	sdelay $0x2  }
0x91: {  	s15 =	simm.s32 $0xA;
	s4 =	simm.s32 $0x10  }
0x92: {  	[smem:s4], [sflag:s15] =	dma.local [hbm:s2], $0x1  }
0x93: {  	_ =	swait.eq [sflag:s15], $0x1  }
0x94: {  	[sflag:s15] =	ssyncset.done $0x0  }
0x95: {  	[sflag:s15] =	ssyncadd.s32 $0xFFFFFFFF  }
0x96: {  	s16 =	sld [smem:$0x11];
	(tm) =	ssettm $0x1  }
0x97: {  	s17 =	sld [smem:$0x3FFB];
	_ =	sdelay $0x3  }
0x98: {  	_ =	strace s17  }
0x99: {  	s3 =	sld [smem:$0x3FFC];
	_ =	sdelay $0x3  }
0x9a: {  	_ =	strace s3  }
0x9b: {  	s3 =	sld [smem:$0x3FFD];
	_ =	sdelay $0x3  }
0x9c: {  	_ =	strace s3  }
0x9d: {  	_ =	strace $0x8FFFFFFF  }
0x9e: {  	s18 =	sld [smem:$0x3FDB];
	_ =	sdelay $0x1  }
0x9f: {  	s19 =	simm.s32 $_scs_section_size  }
0xa0: {  	s5 =	simm.s32 $_size__tile_overlayer_lowered;
	s6 =	simm.s32 $_tile_overlayer_lowered  }
0xa1: {  	s22 =	simm.s32 $0x1BFF;
	s21 =	sshll.u32 s6, $0x1;
	s3 =	sadd.s32 s19, s18  }
0xa2: {  	s7 =	simm.s32 $0x0;
	s20 =	sshll.u32 s5, $0x1;
	s5 =	sadd.s32 s21, s3  }
0xa3: {  	[timem:s7], [sflag:s22] =	dma.local [hbm:s5], s20  }
0xa4: {  	_ =	swait.ge [sflag:s22], s20  }
0xa5: {  	s4 =	ssub.s32 $0x0, s20;
	[sflag:s22] =	ssyncset.done $0x0  }
0xa6: {  	[sflag:s22] =	ssyncadd.s32 s4;
	_ =	sdelay $0x1  }
0xa7: {  	s23 =	simm.s32 $0x1B8B  }
0xa8: {  	_ =	swait.ge [sflag:s23], $0x1  }
0xa9: {  	[sflag:s23] =	ssyncset.done $0x0  }
0xaa: {  	s25 =	simm.s32 $0x1B8E;
	s24 =	sld [smem:$0x3FFE];
	[sflag:s23] =	ssyncadd.s32 $0xFFFFFFFF  }
0xab: {  	s26 =	simm.s32 $execute0_lowered;
	[smem:$0x3FD2] =	sst s25  }
0xac: {  	s5 =	sshll.u32 s26, $0x1;
	_ =	strace $0x80000046;
	[dreg:$0x1] =	wrdreg $0xFFFFFFFF  }
0xad: {  	s28 =	simm.s32 $_size_execute0_lowered;
	s3 =	sadd.s32 s3, s5;
	[dreg:$0x0] =	wrdreg $0x0  }
0xae: {  	s5 =	sshll.u32 s28, $0x1;
	[dreg:$0x2] =	wrdreg s3  }
0xaf: {  	[dreg:$0x3] =	wrdreg s5  }
0xb0: {  	[dreg:$0x4] =	wrdreg $0xC0  }
0xb1: {  	_ =	task [dreg:s7], $0x5FFFF  }
0xb2: {  	[dreg:$0x1] =	wrdreg $0xFFFFFFFF  }
0xb3: {  	[dreg:$0x0] =	wrdreg $0x60  }
0xb4: {  	[dreg:$0x2] =	wrdreg s24  }
0xb5: {  	[dreg:$0x3] =	wrdreg s16  }
0xb6: {  	[dreg:$0x4] =	wrdreg $0xD0000  }
0xb7: {  	[dreg:$0x5] =	wrdreg $0x9  }
0xb8: {  	_ =	task.clear_ibuf [dreg:s7], $0x6FFFF;
	_ =	strace $0x90000046  }
0xb9: {  	s29 =	simm.s32 $0x9;
	_ =	strace $0x80000048  }
0xba: {  	_ =	swait.ge [sflag:s29], $0x1  }
0xbb: {  	[sflag:s29] =	ssyncadd.s32 $0xFFFFFFFF  }
0xbc: {  	_ =	strace $0x90000048  }
0xbd: {  	_ =	sfence  }
0xbe: {  	s30 =	sld [smem:$0x0];
	_ =	sdelay $0x2  }
0xbf: {  	s31 =	sshll.u32 s1, $0xD;
	s1 =	sshrl.u32 s1, $0x2  }
0xc0: {  	s3 =	sand.u32 $0x4000, s31;
	s1 =	sadd.s32 s1, s30  }
0xc1: {  	s0 =	sor.u32 s3, s0;
	s1 =	sshll.u32 s1, $0x11  }
0xc2: {  	s0 =	sor.u32 s1, s0  }
0xc3: {  	s0 =	sadd.s32 $0x8F2B, s0  }
0xc4: {  	[sflag:s0] =	ssyncadd.remote.s32 $0x1  }
0xc5: {  	_ =	sfence.sel $0xFFFF  }
0xc6: {  	[dreg:$0x0] =	wrdreg $0xFFFFFFFF;
	(pc) =	sbr.abs _section_cstart, $3  }
0xc7: {  	[dreg:$0x1] =	wrdreg $0xFFFFFFFF  }
0xc8: {  	_ =	task.clear_ibuf [dreg:s7], $0x2FFFF;
	_ =	strace $0x9FFFFFFF  }
0xc9: {  	(tm) =	ssettm $0x7FFFFFFF  }
tec
execute0_lowered:
.L_overlay_start_1:
0x0: {  	(tag) =	ssettag $0x1  }
0x1: {  	s5 =	rddreg [dreg:$0x0]  }
0x2: {  	s1 =	rddreg [dreg:$0x1]  }
0x3: {  	s2 =	rddreg [dreg:$0x2];
	s4 =	srdreg.scid  }
0x4: {  	s13 =	stileid.u32;
	s3 =	simm.s32 $0x0;
	s10 =	simm.s32 $0x1  }
0x5: {  	s17 =	simm.s32 $0x5000;
	s18 =	simm.s32 $0x7000;
	s19 =	simm.s32 $0x100  }
0x6: {  	s20 =	simm.s32 $0x9000;
	s21 =	simm.s32 $0xB000;
	s6 =	smul.u32 $0x13C00, s13  }
0x7: {  	s28 =	simm.s32 $0x0;
	s14 =	sand.u32 $0x1, s4;
	s8 =	smul.u32 $0x13, s13  }
0x8: {  	[smem:$0x7FF] =	sst s3;
	s4 =	sadd.s32 $0x1400, s5;
	s25 =	smul.u32 $0x2800, s13  }
0x9: {  	s9 =	sadd.s32 $0x14E00, s5;
	p0 =	sne.s32 s13, $0x0;
	s26 =	smul.u32 $0x500, s13  }
0xa: {  	p2 =	seq.s32 s13, $0x0;
	s30 =	smul.u32 $0x27800, s13;
	s7 =	sshll.u32 s14, $0x6  }
0xb: {  	_ =	strace $0x80000047;
	s22 =	ssub.s32 $0x2, s14;
	s10 =	simm.s32 @!p0 $0x0  }
0xc: {  	p1 =	seq.s32 s14, $0x0;
	p3 =	seq.s32 s14, $0x1;
	s6 =	sor.u32 s7, s6  }
0xd: {  	s23 =	sshrl.u32 s22, $0x1;
	s24 =	sadd.s32 s10, s8;
	s7 =	smul.u32 $0x50, s13  }
0xe: {  	s10 =	sshrl.u32 s25, $0x3;
	p5 =	por !p2, !p3;
	p6 =	por !p0, !p3  }
0xf: {  	s31 =	sshrl.u32 s30, $0x2;
	s13 =	sshll.u32 s13, $0x6;
	s25 =	simm.s32 $0x10  }
0x10: {  	s6 =	sshrl.u32 s6, $0x3;
	s12 =	ssub.s32 s22, s23;
	s8 =	sshll.u32 s24, $0x2  }
0x11: {  	s29 =	sadd.s32 s9, s10;
	p3 =	por !p6, !p6;
	s13 =	sadd.s32 $0x1C05, s13  }
0x12: {  	s22 =	simm.s32 $0x2;
	s23 =	simm.s32 $0x3;
	s24 =	simm.s32 $0x4  }
0x13: {  	s11 =	sadd.s32 s6, s5;
	s5 =	simm.s32 $0x1;
	s6 =	simm.s32 $0x50  }
0x14: {  	s15 =	sadd.s32 $0x500, s8;
	s8 =	sadd.s32 $0x9C40, s29;
	s12 =	smax.u32 s12, $0x1  }
0x15: {  	s6 =	simm.s32 @!p2 $0x4C;
	s15 =	smov.u32 @p1 s7;
	s7 =	sadd.s32 s9, s26  }
0x16: {  	s11 =	sadd.s32 $0x28800, s11;
	p2 =	sne.s32 s14, $0x0;
	s26 =	simm.s32 $0x8  }
0x17: {  	s6 =	simm.s32 @p1 $0x50;
	p1 =	por !p5, !p5;
	s15 =	sshll.u32 s15, $0x4  }
0x18: {  	s9 =	sadd.s32 s9, s15;
	s15 =	sadd.s32 s31, s2;
	s16 =	sshll.u32 s6, $0x9  }
0x19: {  	p3 =	por !p3, p1;
	s10 =	sadd.s32 $0x9C40, s9;
	[dreg:$0x4] =	wrdreg s16  }
0x1a: {  	s14 =	sshrl.u32 s15, $0x3;
	s15 =	simm.s32 $0x5;
	s16 =	simm.s32 $0x80  }
.LBB2_1:
0x1b: {  	s29 =	simm.s32 @!p2 $0x0;
	s30 =	simm.s32 @!p2 $0x5  }
0x1c: {  	[tilespmem:s29], [sflag:$0x5] =	stream.linear.gather @!p2 [hbm4b:s7+s29], $0x2800, $0x38;
	[tilespmem:$0x16E00] =	vst v63  }
0x1d: {  	_ =	swait.ge @!p2 [sflag:s30], $0x2800  }
0x1e: {  	[sflag:s30] =	ssyncset.done @!p2 $0x0  }
0x1f: {  	s31 =	simm.s32 @!p2 $0x2800;
	[sflag:s30] =	ssyncadd.s32 @!p2 $0xFFFFD800  }
0x20: {  	[tilespmem:s31], [sflag:$0x5] =	stream.linear.gather @!p2 [hbm4b:s8+s29], $0x2800, $0x38;
	[tilespmem:$0x16E00] =	vst v63  }
0x21: {  	_ =	swait.ge @!p2 [sflag:s30], $0x2800  }
0x22: {  	[sflag:s30] =	ssyncset.done @!p2 $0x0  }
0x23: {  	s29 =	simm.s32 @!p3 $0x0;
	[sflag:s30] =	ssyncadd.s32 @!p2 $0xFFFFD800;
	s30 =	simm.s32 @!p3 $0x5  }
0x24: {  	[tilespmem:s29], [sflag:$0x5] =	stream.linear.gather @!p3 [hbm4b:s9+s29], $0x2600, $0x38;
	[tilespmem:$0x16E00] =	vst v63  }
0x25: {  	_ =	swait.ge @!p3 [sflag:s30], $0x2600  }
0x26: {  	[sflag:s30] =	ssyncset.done @!p3 $0x0  }
0x27: {  	s31 =	simm.s32 @!p3 $0x2800;
	[sflag:s30] =	ssyncadd.s32 @!p3 $0xFFFFDA00  }
0x28: {  	[tilespmem:s31], [sflag:$0x5] =	stream.linear.gather @!p3 [hbm4b:s10+s29], $0x2600, $0x38;
	[tilespmem:$0x16E00] =	vst v63  }
0x29: {  	_ =	swait.ge @!p3 [sflag:s30], $0x2600  }
0x2a: {  	[sflag:s30] =	ssyncset.done @!p3 $0x0  }
0x2b: {  	s29 =	simm.s32 @p1 $0x0;
	[sflag:s30] =	ssyncadd.s32 @!p3 $0xFFFFDA00;
	s30 =	simm.s32 @p1 $0x5  }
0x2c: {  	[tilespmem:s29], [sflag:$0x5] =	stream.linear.gather @p1 [hbm4b:s9+s29], $0x2800, $0x38;
	[tilespmem:$0x16E00] =	vst v63  }
0x2d: {  	_ =	swait.ge @p1 [sflag:s30], $0x2800  }
0x2e: {  	[sflag:s30] =	ssyncset.done @p1 $0x0  }
0x2f: {  	s31 =	simm.s32 @p1 $0x2800;
	[sflag:s30] =	ssyncadd.s32 @p1 $0xFFFFD800  }
0x30: {  	[tilespmem:s31], [sflag:$0x5] =	stream.linear.gather @p1 [hbm4b:s10+s29], $0x2800, $0x38;
	[tilespmem:$0x16E00] =	vst v63  }
0x31: {  	_ =	swait.ge @p1 [sflag:s30], $0x2800  }
0x32: {  	[sflag:s30] =	ssyncset.done @p1 $0x0  }
0x33: {  	[sflag:s30] =	ssyncadd.s32 @p1 $0xFFFFD800  }
0x34: {  	[spmem:s14], [sflag:s13] =	dma.local [hbm:s1], $0x13C0  }
0x35: {  	_ =	swait.ge [sflag:s15], $0x13C0  }
0x36: {  	[sflag:s15] =	ssyncset.done $0x0  }
0x37: {  	[sflag:s15] =	ssyncadd.s32 $0xFFFFEC40  }
0x38: {  	[bflag:$0x0] =	sbarrier.arrive $0xFFFF  }
0x39: {  	[tilespmem:s17], [sflag:$0x1] =	stream.indirect.gather [hbm4b:s4+s16], $0x40, s3, s16, $0xb8;
	[tilespmem:$0x16E00] =	vst v63  }
0x3a: {  	_ = 	snop  }
0x3b: {  	[tilespmem:s18], [sflag:$0x2] =	stream.indirect.gather [hbm4b:s4+s16], $0x40, s16, s16, $0xb8;
	[tilespmem:$0x16E00] =	vst v63  }
0x3c: {  	s29 =	simm.s32 $0x3;
	s30 =	simm.s32 $0x0  }
0x3d: {  	[tilespmem:s20], [sflag:$0x3] =	stream.indirect.gather [hbm4b:s4+s16], $0x40, s19, s16, $0xb8;
	[tilespmem:$0x16E00] =	vst v63  }
.LBB2_2:
0x3e: {  	(drf) =	srem.u32 s29, s6;
	_ =	sdelay $0x8  }
0x3f: {  	s31 =	spop (drf)  }
0x40: {  	s31 =	sshll.u32 s31, $0x7  }
0x41: {  	[tilespmem:s21], [sflag:$0x4] =	stream.indirect.gather [hbm4b:s4+s16], $0x40, s31, s16, $0xb8;
	[tilespmem:$0x16E00] =	vst v63  }
0x42: {  	_ =	swait.ge [sflag:s5], $0x2000  }
0x43: {  	s31 =	sshra.s32 s30, $0x2;
	[sflag:s5] =	ssyncset.done $0x0  }
0x44: {  	s0 =	sadd.s32 $0x2800, s31;
	[sflag:s5] =	ssyncadd.s32 $0xFFFFE000  }
0x45: {  	[spmem:s2] =	stream.indirect.scatter.add.f32 [tilespmem:s17], [sflag:$0x5], $0x40, s0, s16, $0xb8;
	[tilespmem:$0x16E00] =	vst v63  }
0x46: {  	s0 =	sadd.s32 $0x1, s29;
	_ =	swait.ge [sflag:s15], $0x2000  }
0x47: {  	(drf) =	srem.u32 s0, s6;
	_ =	sdelay $0x8  }
0x48: {  	[sflag:s15] =	ssyncset.done $0x0;
	s0 =	spop (drf)  }
0x49: {  	[sflag:s15] =	ssyncadd.s32 $0xFFFFE000;
	s0 =	sshll.u32 s0, $0x7  }
0x4a: {  	[tilespmem:s17], [sflag:$0x1] =	stream.indirect.gather [hbm4b:s4+s16], $0x40, s0, s16, $0xb8;
	[tilespmem:$0x16E00] =	vst v63  }
0x4b: {  	_ =	swait.ge [sflag:s22], $0x2000  }
0x4c: {  	[sflag:s22] =	ssyncset.done $0x0  }
0x4d: {  	s0 =	sadd.s32 $0x2880, s31;
	[sflag:s22] =	ssyncadd.s32 $0xFFFFE000  }
0x4e: {  	[spmem:s2] =	stream.indirect.scatter.add.f32 [tilespmem:s18], [sflag:$0x5], $0x40, s0, s16, $0xb8;
	[tilespmem:$0x16E00] =	vst v63  }
0x4f: {  	s0 =	sadd.s32 $0x2, s29;
	_ =	swait.ge [sflag:s15], $0x2000  }
0x50: {  	(drf) =	srem.u32 s0, s6;
	_ =	sdelay $0x8  }
0x51: {  	[sflag:s15] =	ssyncset.done $0x0;
	s0 =	spop (drf)  }
0x52: {  	[sflag:s15] =	ssyncadd.s32 $0xFFFFE000;
	s0 =	sshll.u32 s0, $0x7  }
0x53: {  	[tilespmem:s18], [sflag:$0x2] =	stream.indirect.gather [hbm4b:s4+s16], $0x40, s0, s16, $0xb8;
	[tilespmem:$0x16E00] =	vst v63  }
0x54: {  	_ =	swait.ge [sflag:s23], $0x2000  }
0x55: {  	[sflag:s23] =	ssyncset.done $0x0  }
0x56: {  	s0 =	sadd.s32 $0x2900, s31;
	[sflag:s23] =	ssyncadd.s32 $0xFFFFE000  }
0x57: {  	[spmem:s2] =	stream.indirect.scatter.add.f32 [tilespmem:s20], [sflag:$0x5], $0x40, s0, s16, $0xb8;
	[tilespmem:$0x16E00] =	vst v63  }
0x58: {  	s0 =	sadd.s32 $0x3, s29;
	_ =	swait.ge [sflag:s15], $0x2000  }
0x59: {  	(drf) =	srem.u32 s0, s6;
	_ =	sdelay $0x8  }
0x5a: {  	[sflag:s15] =	ssyncset.done $0x0;
	s0 =	spop (drf)  }
0x5b: {  	[sflag:s15] =	ssyncadd.s32 $0xFFFFE000;
	s0 =	sshll.u32 s0, $0x7  }
0x5c: {  	[tilespmem:s20], [sflag:$0x3] =	stream.indirect.gather [hbm4b:s4+s16], $0x40, s0, s16, $0xb8;
	[tilespmem:$0x16E00] =	vst v63  }
0x5d: {  	_ =	swait.ge [sflag:s24], $0x2000  }
0x5e: {  	[sflag:s24] =	ssyncset.done $0x0  }
0x5f: {  	s31 =	sadd.s32 $0x2980, s31;
	[sflag:s24] =	ssyncadd.s32 $0xFFFFE000  }
0x60: {  	[spmem:s2] =	stream.indirect.scatter.add.f32 [tilespmem:s21], [sflag:$0x5], $0x40, s31, s16, $0xb8;
	[tilespmem:$0x16E00] =	vst v63  }
0x61: {  	_ =	swait.ge [sflag:s15], $0x2000  }
0x62: {  	s30 =	sadd.s32 $0x800, s30;
	s31 =	rddreg [dreg:$0x4]  }
0x63: {  	p4 =	sne.s32 s31, s30  }
.Ltmp0:
0x64: {  	_ = 	snop;
	(pc) =	sbr.rel @p4 .LBB2_2-.Ltmp0, $3  }
0x65: {  	_ =	sdelay $0x1  }
0x66: {  	[sflag:s15] =	ssyncset.done $0x0  }
0x67: {  	s29 =	sadd.s32 $0x4, s29;
	[sflag:s15] =	ssyncadd.s32 $0xFFFFE000  }
0x68: {  	_ =	swait.ge [sflag:s5], $0x2000  }
0x69: {  	[sflag:s5] =	ssyncset.done $0x0  }
0x6a: {  	[sflag:s5] =	ssyncadd.s32 $0xFFFFE000  }
0x6b: {  	_ =	swait.ge [sflag:s22], $0x2000  }
0x6c: {  	[sflag:s22] =	ssyncset.done $0x0  }
0x6d: {  	[sflag:s22] =	ssyncadd.s32 $0xFFFFE000  }
0x6e: {  	_ =	swait.ge [sflag:s23], $0x2000  }
0x6f: {  	s28 =	sadd.s32 $0x1, s28;
	[sflag:s23] =	ssyncset.done $0x0  }
0x70: {  	p4 =	sne.s32 s28, s12;
	[sflag:s23] =	ssyncadd.s32 $0xFFFFE000  }
.Ltmp1:
0x71: {  	[bflag:$0x0] =	sbarrier.arrive $0xFFFF;
	(pc) =	sbr.rel @p4 .LBB2_1-.Ltmp1, $4  }
0x72: {  	[hbm:s11@s25], [sflag:s13] =	dma.strided [spmem:s14@s26], $0x13C0, s5, $0x8   }
0x73: {  	_ =	swait.ge [sflag:s15], $0x13C0  }
0x74: {  	[sflag:s15] =	ssyncset.done $0x0  }
0x75: {  	[sflag:s15] =	ssyncadd.s32 $0xFFFFEC40  }
0x76: {  	_ =	sfence.sel $0x180000  }
0x77: {  	[bflag:$0x0] =	sbarrier.arrive $0xFFFF  }
0x78: {  	_ =	strace $0x90000047  }
0x79: {  	[bflag:$0x2] =	sbarrier.arrive $0xFFFF  }
0x7a: {  	s0 =	rddreg [dreg:$0x3]  }
0x7b: {  	s0 =	sadd.s32 @!p0 $0x100000, s0  }
0x7c: {  	[sflag:s0] =	ssyncadd.tile.s32 @!p0 $0x1;
	_ =	shalt  }
.Lfunc_end2:
_tile_overlayer_lowered:
.L_overlay_start_2:
0x7d: {  	(tag) =	ssettag $0x2  }
0x7e: {  	s0 =	rddreg [dreg:$0x0];
	s2 =	stileid.u32  }
0x7f: {  	s1 =	rddreg [dreg:$0x1];
	p0 =	sne.s32 s2, $0x0  }
0x80: {  	s3 =	rddreg [dreg:$0x2];
	[bflag:$0x3] =	sbarrier.arrive $0xFFFF;
	s2 =	simm.s32 @!p0 $0x1C05  }
0x81: {  	[timem:s3], [sflag:s2] =	dma.local @!p0 [hbm:s0], s1  }
0x82: {  	s0 =	simm.s32 @!p0 $0x5  }
0x83: {  	_ =	swait.ge @!p0 [sflag:s0], s1  }
0x84: {  	s1 =	ssub.s32 @!p0 $0x0, s1;
	[sflag:s0] =	ssyncset.done @!p0 $0x0  }
0x85: {  	[sflag:s0] =	ssyncadd.s32 @!p0 s1  }
0x86: {  	[bflag:$0x3] =	sbarrier.arrive $0xFFFF  }
0x87: {  	_ =	shalt  }

</sc_bundles>
